<compile_context>
chip_gen: v7x
topology: tpu7x:2x2x1
jax: 0.10.2.dev20260603
libtpu: 0.0.44.dev20260713+nightly
codegen_flags: <defaults>
</compile_context>

<pallas_src>
import functools

import numpy as np
import jax
import jax.numpy as jnp
from jax import lax
from jax.experimental import pallas as pl
from jax.experimental.pallas import tpu as pltpu
from jax.experimental.pallas import tpu_sc as plsc


@functools.lru_cache(maxsize=None)
def _pe_table(S, d):
    pos = np.arange(S)[:, None].astype(np.float64)
    i = np.arange(d)[None, :]
    angle = pos / np.power(10000.0, (2 * (i // 2)).astype(np.float64) / d)
    pe = np.zeros((S, d), dtype=np.float64)
    pe[:, 0::2] = np.sin(angle[:, 0::2])
    pe[:, 1::2] = np.cos(angle[:, 1::2])
    return jnp.asarray(pe, dtype=jnp.float32)


def _dtw_fused_kernel(pe_ref, x_ref, mt_ref, dall_ref, sel_ref, p_ref):
    S, d = pe_ref.shape
    SK = mt_ref.shape[0]
    K = SK // S
    B = p_ref.shape[0]
    KB = K * B
    pid = pl.program_id(0)
    INF = jnp.float32(jnp.inf)

    @pl.when(pid < B)
    def _stage1():
        pes = x_ref[0] + pe_ref[...]
        p2 = jnp.sum(pes * pes, axis=1)
        RCH = 256
        for ci in range(SK // RCH):
            mchunk = mt_ref[pl.ds(ci * RCH, RCH), :]
            m2 = jnp.sum(mchunk * mchunk, axis=1, keepdims=True)
            cross = lax.dot_general(mchunk, pes, (((1,), (1,)), ((), ())),
                                    preferred_element_type=jnp.float32)
            cc = jnp.maximum(m2 + p2[None, :] - 2.0 * cross, 0.0)
            P = cc
            sh = 1
            while sh < S:
                P = P + jnp.concatenate(
                    [jnp.zeros((RCH, sh), jnp.float32), P[:, :-sh]], axis=1)
                sh *= 2
            p_ref[pid, pl.ds(ci * RCH, RCH), :] = P

    @pl.when(pid == B)
    def _stage2():
        def one_row(g, prev):
            P = jnp.concatenate(
                [p_ref[bb, pl.ds(g * K, K), :] for bb in range(B)], axis=0)
            d0 = jnp.where(g == 0, jnp.float32(0.0), INF)
            prev_sh = jnp.concatenate(
                [jnp.full((KB, 1), d0, jnp.float32), prev[:, :-1]], axis=1)
            E = jnp.minimum(prev, prev_sh)
            Psh = jnp.concatenate(
                [jnp.zeros((KB, 1), jnp.float32), P[:, :-1]], axis=1)
            G = E - Psh
            H = G
            sh = 1
            while sh < S:
                H = jnp.minimum(H, jnp.concatenate(
                    [jnp.full((KB, sh), INF, jnp.float32), H[:, :-sh]],
                    axis=1))
                sh *= 2
            drow = P + H
            dall_ref[pl.ds(g * KB, KB)] = drow
            return drow

        def row_pair(gg, prev):
            return one_row(gg * 2 + 1, one_row(gg * 2, prev))

        last = lax.fori_loop(0, S // 2, row_pair,
                             jnp.full((KB, S), INF, jnp.float32))

        dist = last[:, S - 1:S].reshape(B, K)
        mn = jnp.min(dist, axis=1, keepdims=True)
        io = lax.broadcasted_iota(jnp.int32, (B, K), 1)
        selv = jnp.min(jnp.where(dist == mn, io, jnp.int32(1 << 30)),
                       axis=1, keepdims=True)
        sel_ref[...] = jnp.broadcast_to(selv[:, :, None], (B, 1, 16))


def _sc_backtrack_gather(dall_hbm, sel_hbm, table_hbm, out_hbm,
                         db_v, sel_v, idxd_v, src_v, rows_v, sem):
    S, d = rows_v.shape
    B = sel_hbm.shape[0]
    KB = dall_hbm.shape[0] // S
    K = KB // B
    cid = lax.axis_index("c")
    sid = lax.axis_index("s")
    wid = sid * 2 + cid

    @pl.when(wid < B)
    def _():
        b = wid
        pltpu.sync_copy(sel_hbm, sel_v)
        selv = sel_v[b]
        lanes = lax.iota(jnp.int32, 16)

        base_row = b * K + selv
        for c in range(S // 16):
            idxd_v[c >> 3, pl.ds((c & 7) * 16, 16)] = (
                (c * 16 + lanes) * KB + base_row)
        for cc in range(S // 128):
            pltpu.async_copy(dall_hbm.at[idxd_v.at[cc]],
                             db_v.at[pl.ds(cc * 128, 128)], sem).wait()

        base = selv * S
        for c in range(src_v.shape[0]):
            for o in range(src_v.shape[1] // 16):
                src_v[c, pl.ds(o * 16, 16)] = base

        INF = jnp.full((16,), jnp.inf, jnp.float32)
        lane0 = lanes == 0

        def getv(ii, jj):
            inb = (ii >= 1) & (jj >= 1)
            i0 = jnp.maximum(ii - 1, 0)
            j0 = jnp.maximum(jj - 1, 0)
            v = plsc.load_gather(db_v, [i0, j0])
            bnd = jnp.where((ii == 0) & (jj == 0), jnp.float32(0.0), INF)
            return jnp.where(inb, v, bnd)

        def step(t, carry):
            iv, jv = carry
            active = (iv > 0) & (jv > 0)
            im1 = iv - 1
            jm1 = jv - 1
            o0 = getv(im1, jm1)
            o1 = getv(im1, jv)
            o2 = getv(iv, jm1)
            a0 = (o0 <= o1) & (o0 <= o2)
            a1 = jnp.logical_not(a0) & (o1 <= o2)
            is2 = jnp.logical_not(a0) & jnp.logical_not(a1)
            jidx = jnp.maximum(jm1, 0)
            cur = plsc.load_gather(src_v, [jidx >> 7, jidx & 127])
            new = jnp.maximum(cur, base + im1)
            plsc.store_scatter(src_v, [jidx >> 7, jidx & 127], new,
                               mask=lane0 & active)
            iv = jnp.where(active & jnp.logical_not(is2), im1, iv)
            jv = jnp.where(active & jnp.logical_not(a1), jm1, jv)
            return (iv, jv)

        sv = jnp.full((16,), S, jnp.int32)
        lax.fori_loop(0, 2 * S - 1, step, (sv, sv))

        for c in range(src_v.shape[0]):
            pltpu.async_copy(table_hbm.at[src_v.at[c]],
                             rows_v.at[pl.ds(c * 128, 128)], sem).wait()
        pltpu.sync_copy(rows_v, out_hbm.at[pl.ds(b * S, S)])


def kernel(x, source_mean_pe):
    B, S, d = x.shape
    K = source_mean_pe.shape[0]
    KB = K * B
    pe = _pe_table(S, d)

    meansT = jnp.transpose(source_mean_pe, (1, 0, 2)).reshape(S * K, d)
    dall, sel = pl.pallas_call(
        _dtw_fused_kernel,
        grid=(B + 1,),
        in_specs=[
            pl.BlockSpec((S, d), lambda i: (0, 0)),
            pl.BlockSpec((1, S, d), lambda i: (i % B, 0, 0)),
            pl.BlockSpec((S * K, d), lambda i: (0, 0)),
        ],
        out_specs=(pl.BlockSpec((S * KB, S), lambda i: (0, 0)),
                   pl.BlockSpec((B, 1, 16), lambda i: (0, 0, 0))),
        out_shape=(jax.ShapeDtypeStruct((S * KB, S), jnp.float32),
                   jax.ShapeDtypeStruct((B, 1, 16), jnp.int32)),
        scratch_shapes=[pltpu.VMEM((B, S * K, S), jnp.float32)],
    )(pe, x, meansT)

    sel = sel.reshape(B, 16)
    table = source_mean_pe.reshape(K * S, d)
    mesh = plsc.VectorSubcoreMesh(core_axis_name="c", subcore_axis_name="s")
    flat = pl.kernel(
        _sc_backtrack_gather,
        out_type=jax.ShapeDtypeStruct((B * S, d), jnp.float32),
        mesh=mesh,
        compiler_params=pltpu.CompilerParams(needs_layout_passes=False),
        scratch_types=[
            pltpu.VMEM((S, S), jnp.float32),
            pltpu.VMEM((8, 16), jnp.int32),
            pltpu.VMEM((S // 128, 128), jnp.int32),
            pltpu.VMEM((S // 128, 128), jnp.int32),
            pltpu.VMEM((S, d), jnp.float32),
            pltpu.SemaphoreType.DMA,
        ],
    )(dall, sel, table)
    return flat.reshape(B, S, d)

# --- scband reference (transcript-rebuilt; emitter-appended) ---
"""Pipeline reference for scband-dtwpositional-encoding-68650757259365 (READ-ONLY COPY).

The authoritative reference and input builder live on the scoring server;
editing this copy changes nothing except your own understanding.
"""

import jax, jax.numpy as jnp
import numpy as np


def _sinusoidal_pe(S, d):
    pos = np.arange(S)[:, None].astype(np.float64)
    i = np.arange(d)[None, :]
    angle = pos / np.power(10000.0, (2 * (i // 2)).astype(np.float64) / d)
    pe = np.zeros((S, d), dtype=np.float64)
    pe[:, 0::2] = np.sin(angle[:, 0::2])
    pe[:, 1::2] = np.cos(angle[:, 1::2])
    return pe


def _dtw_select_and_paths(pes, means):
    # pes: [B, S, d] (queries), means: [K, S, d] (keys)
    # Returns sel [B] (nearest mean PE by DTW distance) and src [B, S]
    # where src[b, j] = source index i aligned to target position j by the
    # best DTW warping path (last write wins, as in the sequential torch loop).
    B, S, d = pes.shape
    K = means.shape[0]
    m2 = (means ** 2).sum(-1)
    p2 = (pes ** 2).sum(-1)
    cross = jnp.einsum('kid,bjd->bkij', means, pes)
    C = jnp.maximum(m2[None, :, :, None] + p2[:, None, None, :] - 2.0 * cross, 0.0)
    inf = jnp.asarray(jnp.inf, dtype=C.dtype)
    row0 = jnp.full((B, K, S + 1), inf, dtype=C.dtype).at[:, :, 0].set(0.0)

    def row_step(prev_row, C_i):
        up = jnp.moveaxis(prev_row[:, :, 1:], -1, 0)
        diag = jnp.moveaxis(prev_row[:, :, :-1], -1, 0)
        c = jnp.moveaxis(C_i, -1, 0)
        left0 = jnp.full((B, K), inf, dtype=C.dtype)

        def col_step(left, inp):
            cc, uu, dd = inp
            cur = cc + jnp.minimum(jnp.minimum(uu, left), dd)
            return cur, cur

        _, cols = jax.lax.scan(col_step, left0, (c, up, diag))
        cur_row = jnp.concatenate([left0[:, :, None], jnp.moveaxis(cols, 0, -1)], axis=-1)
        return cur_row, cur_row

    _, rows = jax.lax.scan(row_step, row0, jnp.moveaxis(C, 2, 0))
    D = jnp.concatenate([row0[None], rows], axis=0)
    D = jnp.moveaxis(D, 0, 2)
    dist = jnp.sqrt(D[:, :, S, S])
    sel = jnp.argmin(dist, axis=1)
    Dsel = D[jnp.arange(B), sel]

    def backtrack(Db):
        def body(t, state):
            i, j, src = state
            active = (i > 0) & (j > 0)
            opts = jnp.stack([Db[i - 1, j - 1], Db[i - 1, j], Db[i, j - 1]])
            a = jnp.argmin(opts)
            src_new = src.at[j - 1].max(i - 1, mode='drop')
            src = jnp.where(active, src_new, src)
            i = jnp.where(active & (a != 2), i - 1, i)
            j = jnp.where(active & (a != 1), j - 1, j)
            return (i, j, src)

        init = (jnp.asarray(S), jnp.asarray(S), jnp.zeros((S,), dtype=jnp.int32))
        _, _, src = jax.lax.fori_loop(0, 2 * S - 1, body, init)
        return src

    src = jax.vmap(backtrack)(Dsel)
    return sel, src


def setup_inputs(seed: int = 0):
    key = jax.random.key(seed)
    k1, k2 = jax.random.split(key)
    x = jax.random.normal(k1, (8, 256, 128), dtype=jnp.float32)
    source_mean_pe = jax.random.normal(k2, (8, 256, 128), dtype=jnp.float32)
    return {"x": x, "source_mean_pe": source_mean_pe}


def reference(x, source_mean_pe):
    B, S, d = x.shape
    pe_tab = jnp.asarray(_sinusoidal_pe(S, d), dtype=jnp.float32)
    # original_pos_enc: standard additive sinusoidal positional encoding
    pes = x + pe_tab[None, :, :]
    pes_hi = pes.astype(jnp.float64)
    means_hi = source_mean_pe.astype(jnp.float64)
    sel, src = _dtw_select_and_paths(pes_hi, means_hi)
    sel_j = sel.astype(jnp.int32)
    src_j = src.astype(jnp.int32)
    # new_pe[b, j] = source_mean_pe[sel[b], src[b, j]] (gather)
    new_pe = source_mean_pe[sel_j[:, None], src_j]
    return new_pe.astype(jnp.float32)

if __name__ == "__main__":
    import jax
    _d = setup_inputs()
    print(jax.jit(kernel)(*tuple(_d.values())))

</pallas_src>

<mosaic_0001>
#map = affine_map<(d0, d1) -> (0, 0)>
module attributes {stable_mosaic.version = 14 : i64} {
  func.func @_sc_backtrack_gather(%arg0: i32, %arg1: i32, %arg2: memref<16384x256xf32, #tpu.memory_space<hbm>>, %arg3: memref<8x16xi32, #tpu.memory_space<hbm>>, %arg4: memref<2048x128xf32, #tpu.memory_space<hbm>>, %arg5: memref<2048x128xf32, #tpu.memory_space<hbm>>, %arg6: memref<256x256xf32, #tpu.memory_space<vmem>>, %arg7: memref<8x16xi32, #tpu.memory_space<vmem>>, %arg8: memref<2x128xi32, #tpu.memory_space<vmem>>, %arg9: memref<2x128xi32, #tpu.memory_space<vmem>>, %arg10: memref<256x128xf32, #tpu.memory_space<vmem>>, %arg11: memref<!tpu.dma_semaphore, #tpu.memory_space<semaphore_mem>>) attributes {dimension_semantics = [#tpu.dimension_semantics<core_parallel>, #tpu.dimension_semantics<subcore_parallel>], iteration_bounds = array<i64: 2, 16>, scalar_prefetch = 0 : i64, scratch_operands = 6 : i64, tpu.core_type = #tpu.core_type<sc_vector_subcore>, window_params = [{transform_indices = #map}, {transform_indices = #map}, {transform_indices = #map}, {transform_indices = #map}]} {
    %mul3A = arith.constant 2 : i32
    %mul3A_0 = arith.muli %arg1, %mul3A : i32
    %add3A = arith.addi %mul3A_0, %arg0 : i32
    %lt3A = arith.constant 8 : i32
    %lt3A_1 = arith.cmpi slt, %add3A, %lt3A : i32
    %convert_element_type3A = arith.extui %lt3A_1 : i1 to i32
    %cond3A = arith.constant 0 : i32
    %cond3A_2 = arith.cmpi ne, %convert_element_type3A, %cond3A : i32
    scf.if %cond3A_2 {
      "tpu.region"() ({
        %run_scoped3A = tpu.sem_alloc : memref<!tpu.dma_semaphore, #tpu.memory_space<semaphore_mem>>
        tpu.enqueue_dma source(%arg3 : memref<8x16xi32, #tpu.memory_space<hbm>>) target(%arg7 : memref<8x16xi32, #tpu.memory_space<vmem>>) target_semaphore(%run_scoped3A : memref<!tpu.dma_semaphore, #tpu.memory_space<semaphore_mem>>)
        tpu.wait_dma2 semaphore(%run_scoped3A : memref<!tpu.dma_semaphore, #tpu.memory_space<semaphore_mem>>) src(%arg3 : memref<8x16xi32, #tpu.memory_space<hbm>>) dst(%arg7 : memref<8x16xi32, #tpu.memory_space<vmem>>)
        tpu.yield
      }) : () -> ()
      %get3A = arith.index_cast %add3A : i32 to index
      %get3A_3 = arith.constant 0 : index
      %get3A_4 = tpu.vector_load %arg7[%get3A, %get3A_3] {strides = array<i32>} : memref<8x16xi32, #tpu.memory_space<vmem>>, vector<16xi32>,
      %iota3A = tpu.iota {dimensions = array<i32: 0>} : vector<16xi32>
      %mul3A_5 = arith.constant 8 : i32
      %mul3A_6 = arith.muli %add3A, %mul3A_5 : i32
      %add3A_7 = vector.broadcast %mul3A_6 : i32 to vector<16xi32>
      %add3A_8 = arith.addi %add3A_7, %get3A_4 : vector<16xi32>
      %add3A_9 = arith.constant 0 : i32
      %add3A_10 = vector.broadcast %add3A_9 : i32 to vector<16xi32>
      %add3A_11 = arith.addi %add3A_10, %iota3A : vector<16xi32>
      %mul3A_12 = arith.constant 64 : i32
      %mul3A_13 = vector.broadcast %mul3A_12 : i32 to vector<16xi32>
      %mul3A_14 = arith.muli %add3A_11, %mul3A_13 : vector<16xi32>
      %add3A_15 = arith.addi %mul3A_14, %add3A_8 : vector<16xi32>
      %swap3A = arith.constant 0 : i32
      %swap3A_16 = arith.index_cast %swap3A : i32 to index
      %swap3A_17 = arith.constant 0 : index
      %swap3A_18 = tpu.vector_load %arg8[%swap3A_16, %swap3A_17] {strides = array<i32>} : memref<2x128xi32, #tpu.memory_space<vmem>>, vector<16xi32>,
      tpu.vector_store %arg8[%swap3A_16, %swap3A_17], %add3A_15 {strides = array<i32>} : memref<2x128xi32, #tpu.memory_space<vmem>>, vector<16xi32>,
      %add3A_19 = arith.constant 16 : i32
      %add3A_20 = vector.broadcast %add3A_19 : i32 to vector<16xi32>
      %add3A_21 = arith.addi %add3A_20, %iota3A : vector<16xi32>
      %mul3A_22 = arith.constant 64 : i32
      %mul3A_23 = vector.broadcast %mul3A_22 : i32 to vector<16xi32>
      %mul3A_24 = arith.muli %add3A_21, %mul3A_23 : vector<16xi32>
      %add3A_25 = arith.addi %mul3A_24, %add3A_8 : vector<16xi32>
      %swap3A_26 = arith.constant 0 : i32
      %swap3A_27 = arith.index_cast %swap3A_26 : i32 to index
      %swap3A_28 = arith.constant 16 : index
      %swap3A_29 = tpu.vector_load %arg8[%swap3A_27, %swap3A_28] {strides = array<i32>} : memref<2x128xi32, #tpu.memory_space<vmem>>, vector<16xi32>,
      tpu.vector_store %arg8[%swap3A_27, %swap3A_28], %add3A_25 {strides = array<i32>} : memref<2x128xi32, #tpu.memory_space<vmem>>, vector<16xi32>,
      %add3A_30 = arith.constant 32 : i32
      %add3A_31 = vector.broadcast %add3A_30 : i32 to vector<16xi32>
      %add3A_32 = arith.addi %add3A_31, %iota3A : vector<16xi32>
      %mul3A_33 = arith.constant 64 : i32
      %mul3A_34 = vector.broadcast %mul3A_33 : i32 to vector<16xi32>
      %mul3A_35 = arith.muli %add3A_32, %mul3A_34 : vector<16xi32>
      %add3A_36 = arith.addi %mul3A_35, %add3A_8 : vector<16xi32>
      %swap3A_37 = arith.constant 0 : i32
      %swap3A_38 = arith.index_cast %swap3A_37 : i32 to index
      %swap3A_39 = arith.constant 32 : index
      %swap3A_40 = tpu.vector_load %arg8[%swap3A_38, %swap3A_39] {strides = array<i32>} : memref<2x128xi32, #tpu.memory_space<vmem>>, vector<16xi32>,
      tpu.vector_store %arg8[%swap3A_38, %swap3A_39], %add3A_36 {strides = array<i32>} : memref<2x128xi32, #tpu.memory_space<vmem>>, vector<16xi32>,
      %add3A_41 = arith.constant 48 : i32
      %add3A_42 = vector.broadcast %add3A_41 : i32 to vector<16xi32>
      %add3A_43 = arith.addi %add3A_42, %iota3A : vector<16xi32>
      %mul3A_44 = arith.constant 64 : i32
      %mul3A_45 = vector.broadcast %mul3A_44 : i32 to vector<16xi32>
      %mul3A_46 = arith.muli %add3A_43, %mul3A_45 : vector<16xi32>
      %add3A_47 = arith.addi %mul3A_46, %add3A_8 : vector<16xi32>
      %swap3A_48 = arith.constant 0 : i32
      %swap3A_49 = arith.index_cast %swap3A_48 : i32 to index
      %swap3A_50 = arith.constant 48 : index
      %swap3A_51 = tpu.vector_load %arg8[%swap3A_49, %swap3A_50] {strides = array<i32>} : memref<2x128xi32, #tpu.memory_space<vmem>>, vector<16xi32>,
      tpu.vector_store %arg8[%swap3A_49, %swap3A_50], %add3A_47 {strides = array<i32>} : memref<2x128xi32, #tpu.memory_space<vmem>>, vector<16xi32>,
      %add3A_52 = arith.constant 64 : i32
      %add3A_53 = vector.broadcast %add3A_52 : i32 to vector<16xi32>
      %add3A_54 = arith.addi %add3A_53, %iota3A : vector<16xi32>
      %mul3A_55 = arith.constant 64 : i32
      %mul3A_56 = vector.broadcast %mul3A_55 : i32 to vector<16xi32>
      %mul3A_57 = arith.muli %add3A_54, %mul3A_56 : vector<16xi32>
      %add3A_58 = arith.addi %mul3A_57, %add3A_8 : vector<16xi32>
      %swap3A_59 = arith.constant 0 : i32
      %swap3A_60 = arith.index_cast %swap3A_59 : i32 to index
      %swap3A_61 = arith.constant 64 : index
      %swap3A_62 = tpu.vector_load %arg8[%swap3A_60, %swap3A_61] {strides = array<i32>} : memref<2x128xi32, #tpu.memory_space<vmem>>, vector<16xi32>,
      tpu.vector_store %arg8[%swap3A_60, %swap3A_61], %add3A_58 {strides = array<i32>} : memref<2x128xi32, #tpu.memory_space<vmem>>, vector<16xi32>,
      %add3A_63 = arith.constant 80 : i32
      %add3A_64 = vector.broadcast %add3A_63 : i32 to vector<16xi32>
      %add3A_65 = arith.addi %add3A_64, %iota3A : vector<16xi32>
      %mul3A_66 = arith.constant 64 : i32
      %mul3A_67 = vector.broadcast %mul3A_66 : i32 to vector<16xi32>
      %mul3A_68 = arith.muli %add3A_65, %mul3A_67 : vector<16xi32>
      %add3A_69 = arith.addi %mul3A_68, %add3A_8 : vector<16xi32>
      %swap3A_70 = arith.constant 0 : i32
      %swap3A_71 = arith.index_cast %swap3A_70 : i32 to index
      %swap3A_72 = arith.constant 80 : index
      %swap3A_73 = tpu.vector_load %arg8[%swap3A_71, %swap3A_72] {strides = array<i32>} : memref<2x128xi32, #tpu.memory_space<vmem>>, vector<16xi32>,
      tpu.vector_store %arg8[%swap3A_71, %swap3A_72], %add3A_69 {strides = array<i32>} : memref<2x128xi32, #tpu.memory_space<vmem>>, vector<16xi32>,
      %add3A_74 = arith.constant 96 : i32
      %add3A_75 = vector.broadcast %add3A_74 : i32 to vector<16xi32>
      %add3A_76 = arith.addi %add3A_75, %iota3A : vector<16xi32>
      %mul3A_77 = arith.constant 64 : i32
      %mul3A_78 = vector.broadcast %mul3A_77 : i32 to vector<16xi32>
      %mul3A_79 = arith.muli %add3A_76, %mul3A_78 : vector<16xi32>
      %add3A_80 = arith.addi %mul3A_79, %add3A_8 : vector<16xi32>
      %swap3A_81 = arith.constant 0 : i32
      %swap3A_82 = arith.index_cast %swap3A_81 : i32 to index
      %swap3A_83 = arith.constant 96 : index
      %swap3A_84 = tpu.vector_load %arg8[%swap3A_82, %swap3A_83] {strides = array<i32>} : memref<2x128xi32, #tpu.memory_space<vmem>>, vector<16xi32>,
      tpu.vector_store %arg8[%swap3A_82, %swap3A_83], %add3A_80 {strides = array<i32>} : memref<2x128xi32, #tpu.memory_space<vmem>>, vector<16xi32>,
      %add3A_85 = arith.constant 112 : i32
      %add3A_86 = vector.broadcast %add3A_85 : i32 to vector<16xi32>
      %add3A_87 = arith.addi %add3A_86, %iota3A : vector<16xi32>
      %mul3A_88 = arith.constant 64 : i32
      %mul3A_89 = vector.broadcast %mul3A_88 : i32 to vector<16xi32>
      %mul3A_90 = arith.muli %add3A_87, %mul3A_89 : vector<16xi32>
      %add3A_91 = arith.addi %mul3A_90, %add3A_8 : vector<16xi32>
      %swap3A_92 = arith.constant 0 : i32
      %swap3A_93 = arith.index_cast %swap3A_92 : i32 to index
      %swap3A_94 = arith.constant 112 : index
      %swap3A_95 = tpu.vector_load %arg8[%swap3A_93, %swap3A_94] {strides = array<i32>} : memref<2x128xi32, #tpu.memory_space<vmem>>, vector<16xi32>,
      tpu.vector_store %arg8[%swap3A_93, %swap3A_94], %add3A_91 {strides = array<i32>} : memref<2x128xi32, #tpu.memory_space<vmem>>, vector<16xi32>,
      %add3A_96 = arith.constant 128 : i32
      %add3A_97 = vector.broadcast %add3A_96 : i32 to vector<16xi32>
      %add3A_98 = arith.addi %add3A_97, %iota3A : vector<16xi32>
      %mul3A_99 = arith.constant 64 : i32
      %mul3A_100 = vector.broadcast %mul3A_99 : i32 to vector<16xi32>
      %mul3A_101 = arith.muli %add3A_98, %mul3A_100 : vector<16xi32>
      %add3A_102 = arith.addi %mul3A_101, %add3A_8 : vector<16xi32>
      %swap3A_103 = arith.constant 1 : i32
      %swap3A_104 = arith.index_cast %swap3A_103 : i32 to index
      %swap3A_105 = arith.constant 0 : index
      %swap3A_106 = tpu.vector_load %arg8[%swap3A_104, %swap3A_105] {strides = array<i32>} : memref<2x128xi32, #tpu.memory_space<vmem>>, vector<16xi32>,
      tpu.vector_store %arg8[%swap3A_104, %swap3A_105], %add3A_102 {strides = array<i32>} : memref<2x128xi32, #tpu.memory_space<vmem>>, vector<16xi32>,
      %add3A_107 = arith.constant 144 : i32
      %add3A_108 = vector.broadcast %add3A_107 : i32 to vector<16xi32>
      %add3A_109 = arith.addi %add3A_108, %iota3A : vector<16xi32>
      %mul3A_110 = arith.constant 64 : i32
      %mul3A_111 = vector.broadcast %mul3A_110 : i32 to vector<16xi32>
      %mul3A_112 = arith.muli %add3A_109, %mul3A_111 : vector<16xi32>
      %add3A_113 = arith.addi %mul3A_112, %add3A_8 : vector<16xi32>
      %swap3A_114 = arith.constant 1 : i32
      %swap3A_115 = arith.index_cast %swap3A_114 : i32 to index
      %swap3A_116 = arith.constant 16 : index
      %swap3A_117 = tpu.vector_load %arg8[%swap3A_115, %swap3A_116] {strides = array<i32>} : memref<2x128xi32, #tpu.memory_space<vmem>>, vector<16xi32>,
      tpu.vector_store %arg8[%swap3A_115, %swap3A_116], %add3A_113 {strides = array<i32>} : memref<2x128xi32, #tpu.memory_space<vmem>>, vector<16xi32>,
      %add3A_118 = arith.constant 160 : i32
      %add3A_119 = vector.broadcast %add3A_118 : i32 to vector<16xi32>
      %add3A_120 = arith.addi %add3A_119, %iota3A : vector<16xi32>
      %mul3A_121 = arith.constant 64 : i32
      %mul3A_122 = vector.broadcast %mul3A_121 : i32 to vector<16xi32>
      %mul3A_123 = arith.muli %add3A_120, %mul3A_122 : vector<16xi32>
      %add3A_124 = arith.addi %mul3A_123, %add3A_8 : vector<16xi32>
      %swap3A_125 = arith.constant 1 : i32
      %swap3A_126 = arith.index_cast %swap3A_125 : i32 to index
      %swap3A_127 = arith.constant 32 : index
      %swap3A_128 = tpu.vector_load %arg8[%swap3A_126, %swap3A_127] {strides = array<i32>} : memref<2x128xi32, #tpu.memory_space<vmem>>, vector<16xi32>,
      tpu.vector_store %arg8[%swap3A_126, %swap3A_127], %add3A_124 {strides = array<i32>} : memref<2x128xi32, #tpu.memory_space<vmem>>, vector<16xi32>,
      %add3A_129 = arith.constant 176 : i32
      %add3A_130 = vector.broadcast %add3A_129 : i32 to vector<16xi32>
      %add3A_131 = arith.addi %add3A_130, %iota3A : vector<16xi32>
      %mul3A_132 = arith.constant 64 : i32
      %mul3A_133 = vector.broadcast %mul3A_132 : i32 to vector<16xi32>
      %mul3A_134 = arith.muli %add3A_131, %mul3A_133 : vector<16xi32>
      %add3A_135 = arith.addi %mul3A_134, %add3A_8 : vector<16xi32>
      %swap3A_136 = arith.constant 1 : i32
      %swap3A_137 = arith.index_cast %swap3A_136 : i32 to index
      %swap3A_138 = arith.constant 48 : index
      %swap3A_139 = tpu.vector_load %arg8[%swap3A_137, %swap3A_138] {strides = array<i32>} : memref<2x128xi32, #tpu.memory_space<vmem>>, vector<16xi32>,
      tpu.vector_store %arg8[%swap3A_137, %swap3A_138], %add3A_135 {strides = array<i32>} : memref<2x128xi32, #tpu.memory_space<vmem>>, vector<16xi32>,
      %add3A_140 = arith.constant 192 : i32
      %add3A_141 = vector.broadcast %add3A_140 : i32 to vector<16xi32>
      %add3A_142 = arith.addi %add3A_141, %iota3A : vector<16xi32>
      %mul3A_143 = arith.constant 64 : i32
      %mul3A_144 = vector.broadcast %mul3A_143 : i32 to vector<16xi32>
      %mul3A_145 = arith.muli %add3A_142, %mul3A_144 : vector<16xi32>
      %add3A_146 = arith.addi %mul3A_145, %add3A_8 : vector<16xi32>
      %swap3A_147 = arith.constant 1 : i32
      %swap3A_148 = arith.index_cast %swap3A_147 : i32 to index
      %swap3A_149 = arith.constant 64 : index
      %swap3A_150 = tpu.vector_load %arg8[%swap3A_148, %swap3A_149] {strides = array<i32>} : memref<2x128xi32, #tpu.memory_space<vmem>>, vector<16xi32>,
      tpu.vector_store %arg8[%swap3A_148, %swap3A_149], %add3A_146 {strides = array<i32>} : memref<2x128xi32, #tpu.memory_space<vmem>>, vector<16xi32>,
      %add3A_151 = arith.constant 208 : i32
      %add3A_152 = vector.broadcast %add3A_151 : i32 to vector<16xi32>
      %add3A_153 = arith.addi %add3A_152, %iota3A : vector<16xi32>
      %mul3A_154 = arith.constant 64 : i32
      %mul3A_155 = vector.broadcast %mul3A_154 : i32 to vector<16xi32>
      %mul3A_156 = arith.muli %add3A_153, %mul3A_155 : vector<16xi32>
      %add3A_157 = arith.addi %mul3A_156, %add3A_8 : vector<16xi32>
      %swap3A_158 = arith.constant 1 : i32
      %swap3A_159 = arith.index_cast %swap3A_158 : i32 to index
      %swap3A_160 = arith.constant 80 : index
      %swap3A_161 = tpu.vector_load %arg8[%swap3A_159, %swap3A_160] {strides = array<i32>} : memref<2x128xi32, #tpu.memory_space<vmem>>, vector<16xi32>,
      tpu.vector_store %arg8[%swap3A_159, %swap3A_160], %add3A_157 {strides = array<i32>} : memref<2x128xi32, #tpu.memory_space<vmem>>, vector<16xi32>,
      %add3A_162 = arith.constant 224 : i32
      %add3A_163 = vector.broadcast %add3A_162 : i32 to vector<16xi32>
      %add3A_164 = arith.addi %add3A_163, %iota3A : vector<16xi32>
      %mul3A_165 = arith.constant 64 : i32
      %mul3A_166 = vector.broadcast %mul3A_165 : i32 to vector<16xi32>
      %mul3A_167 = arith.muli %add3A_164, %mul3A_166 : vector<16xi32>
      %add3A_168 = arith.addi %mul3A_167, %add3A_8 : vector<16xi32>
      %swap3A_169 = arith.constant 1 : i32
      %swap3A_170 = arith.index_cast %swap3A_169 : i32 to index
      %swap3A_171 = arith.constant 96 : index
      %swap3A_172 = tpu.vector_load %arg8[%swap3A_170, %swap3A_171] {strides = array<i32>} : memref<2x128xi32, #tpu.memory_space<vmem>>, vector<16xi32>,
      tpu.vector_store %arg8[%swap3A_170, %swap3A_171], %add3A_168 {strides = array<i32>} : memref<2x128xi32, #tpu.memory_space<vmem>>, vector<16xi32>,
      %add3A_173 = arith.constant 240 : i32
      %add3A_174 = vector.broadcast %add3A_173 : i32 to vector<16xi32>
      %add3A_175 = arith.addi %add3A_174, %iota3A : vector<16xi32>
      %mul3A_176 = arith.constant 64 : i32
      %mul3A_177 = vector.broadcast %mul3A_176 : i32 to vector<16xi32>
      %mul3A_178 = arith.muli %add3A_175, %mul3A_177 : vector<16xi32>
      %add3A_179 = arith.addi %mul3A_178, %add3A_8 : vector<16xi32>
      %swap3A_180 = arith.constant 1 : i32
      %swap3A_181 = arith.index_cast %swap3A_180 : i32 to index
      %swap3A_182 = arith.constant 112 : index
      %swap3A_183 = tpu.vector_load %arg8[%swap3A_181, %swap3A_182] {strides = array<i32>} : memref<2x128xi32, #tpu.memory_space<vmem>>, vector<16xi32>,
      tpu.vector_store %arg8[%swap3A_181, %swap3A_182], %add3A_179 {strides = array<i32>} : memref<2x128xi32, #tpu.memory_space<vmem>>, vector<16xi32>,
      %dma_start3A = arith.constant 0 : i32
      %dma_start3A_184 = arith.constant 0 : i32
      %dma_start3A_185 = arith.constant 0 : i32
      %dma_start3A_186 = tpu.memref_slice %arg6[%dma_start3A_184, %dma_start3A_185] : memref<256x256xf32, #tpu.memory_space<vmem>> -> memref<128x256xf32, #tpu.memory_space<vmem>>
      %dma_start3A_187 = arith.constant 0 : i32
      %dma_start3A_188 = tpu.memref_slice %arg8[%dma_start3A, %dma_start3A_187] : memref<2x128xi32, #tpu.memory_space<vmem>> -> memref<1x128xi32, #tpu.memory_space<vmem>>
      %dma_start3A_189 = tpu.memref_squeeze %dma_start3A_188 : memref<1x128xi32, #tpu.memory_space<vmem>> -> memref<128xi32, #tpu.memory_space<vmem>>
      %dma_start3A_190 = arith.constant 0 : i32
      %dma_start3A_191 = arith.constant 0 : i32
      %dma_start3A_192 = tpu.memref_slice %arg2[%dma_start3A_190, %dma_start3A_191] : memref<16384x256xf32, #tpu.memory_space<hbm>> -> memref<16384x256xf32, #tpu.memory_space<hbm>>
      tpu.enqueue_indirect_dma source(%dma_start3A_192 : memref<16384x256xf32, #tpu.memory_space<hbm>>) target(%dma_start3A_186 : memref<128x256xf32, #tpu.memory_space<vmem>>) offsets(%dma_start3A_189 : memref<128xi32, #tpu.memory_space<vmem>>) semaphore(%arg11 : memref<!tpu.dma_semaphore, #tpu.memory_space<semaphore_mem>>)
      %dma_wait3A = arith.constant 0 : i32
      %dma_wait3A_193 = arith.constant 0 : i32
      %dma_wait3A_194 = arith.constant 0 : i32
      %dma_wait3A_195 = tpu.memref_slice %arg6[%dma_wait3A_193, %dma_wait3A_194] : memref<256x256xf32, #tpu.memory_space<vmem>> -> memref<128x256xf32, #tpu.memory_space<vmem>>
      %dma_wait3A_196 = arith.constant 0 : i32
      %dma_wait3A_197 = tpu.memref_slice %arg8[%dma_wait3A, %dma_wait3A_196] : memref<2x128xi32, #tpu.memory_space<vmem>> -> memref<1x128xi32, #tpu.memory_space<vmem>>
      %dma_wait3A_198 = tpu.memref_squeeze %dma_wait3A_197 : memref<1x128xi32, #tpu.memory_space<vmem>> -> memref<128xi32, #tpu.memory_space<vmem>>
      %dma_wait3A_199 = arith.constant 0 : i32
      %dma_wait3A_200 = arith.constant 0 : i32
      %dma_wait3A_201 = tpu.memref_slice %arg2[%dma_wait3A_199, %dma_wait3A_200] : memref<16384x256xf32, #tpu.memory_space<hbm>> -> memref<16384x256xf32, #tpu.memory_space<hbm>>
      tpu.wait_indirect_dma semaphore(%arg11 : memref<!tpu.dma_semaphore, #tpu.memory_space<semaphore_mem>>) src(%dma_wait3A_201 : memref<16384x256xf32, #tpu.memory_space<hbm>>) dst(%dma_wait3A_195 : memref<128x256xf32, #tpu.memory_space<vmem>>)
      %dma_start3A_202 = arith.constant 1 : i32
      %dma_start3A_203 = arith.constant 128 : i32
      %dma_start3A_204 = arith.constant 0 : i32
      %dma_start3A_205 = tpu.memref_slice %arg6[%dma_start3A_203, %dma_start3A_204] : memref<256x256xf32, #tpu.memory_space<vmem>> -> memref<128x256xf32, #tpu.memory_space<vmem>>
      %dma_start3A_206 = arith.constant 0 : i32
      %dma_start3A_207 = tpu.memref_slice %arg8[%dma_start3A_202, %dma_start3A_206] : memref<2x128xi32, #tpu.memory_space<vmem>> -> memref<1x128xi32, #tpu.memory_space<vmem>>
      %dma_start3A_208 = tpu.memref_squeeze %dma_start3A_207 : memref<1x128xi32, #tpu.memory_space<vmem>> -> memref<128xi32, #tpu.memory_space<vmem>>
      %dma_start3A_209 = arith.constant 0 : i32
      %dma_start3A_210 = arith.constant 0 : i32
      %dma_start3A_211 = tpu.memref_slice %arg2[%dma_start3A_209, %dma_start3A_210] : memref<16384x256xf32, #tpu.memory_space<hbm>> -> memref<16384x256xf32, #tpu.memory_space<hbm>>
      tpu.enqueue_indirect_dma source(%dma_start3A_211 : memref<16384x256xf32, #tpu.memory_space<hbm>>) target(%dma_start3A_205 : memref<128x256xf32, #tpu.memory_space<vmem>>) offsets(%dma_start3A_208 : memref<128xi32, #tpu.memory_space<vmem>>) semaphore(%arg11 : memref<!tpu.dma_semaphore, #tpu.memory_space<semaphore_mem>>)
      %dma_wait3A_212 = arith.constant 1 : i32
      %dma_wait3A_213 = arith.constant 128 : i32
      %dma_wait3A_214 = arith.constant 0 : i32
      %dma_wait3A_215 = tpu.memref_slice %arg6[%dma_wait3A_213, %dma_wait3A_214] : memref<256x256xf32, #tpu.memory_space<vmem>> -> memref<128x256xf32, #tpu.memory_space<vmem>>
      %dma_wait3A_216 = arith.constant 0 : i32
      %dma_wait3A_217 = tpu.memref_slice %arg8[%dma_wait3A_212, %dma_wait3A_216] : memref<2x128xi32, #tpu.memory_space<vmem>> -> memref<1x128xi32, #tpu.memory_space<vmem>>
      %dma_wait3A_218 = tpu.memref_squeeze %dma_wait3A_217 : memref<1x128xi32, #tpu.memory_space<vmem>> -> memref<128xi32, #tpu.memory_space<vmem>>
      %dma_wait3A_219 = arith.constant 0 : i32
      %dma_wait3A_220 = arith.constant 0 : i32
      %dma_wait3A_221 = tpu.memref_slice %arg2[%dma_wait3A_219, %dma_wait3A_220] : memref<16384x256xf32, #tpu.memory_space<hbm>> -> memref<16384x256xf32, #tpu.memory_space<hbm>>
      tpu.wait_indirect_dma semaphore(%arg11 : memref<!tpu.dma_semaphore, #tpu.memory_space<semaphore_mem>>) src(%dma_wait3A_221 : memref<16384x256xf32, #tpu.memory_space<hbm>>) dst(%dma_wait3A_215 : memref<128x256xf32, #tpu.memory_space<vmem>>)
      %mul3A_222 = arith.constant 256 : i32
      %mul3A_223 = vector.broadcast %mul3A_222 : i32 to vector<16xi32>
      %mul3A_224 = arith.muli %get3A_4, %mul3A_223 : vector<16xi32>
      %swap3A_225 = arith.constant 0 : i32
      %swap3A_226 = arith.index_cast %swap3A_225 : i32 to index
      %swap3A_227 = arith.constant 0 : index
      %swap3A_228 = tpu.vector_load %arg9[%swap3A_226, %swap3A_227] {strides = array<i32>} : memref<2x128xi32, #tpu.memory_space<vmem>>, vector<16xi32>,
      tpu.vector_store %arg9[%swap3A_226, %swap3A_227], %mul3A_224 {strides = array<i32>} : memref<2x128xi32, #tpu.memory_space<vmem>>, vector<16xi32>,
      %swap3A_229 = arith.constant 0 : i32
      %swap3A_230 = arith.index_cast %swap3A_229 : i32 to index
      %swap3A_231 = arith.constant 16 : index
      %swap3A_232 = tpu.vector_load %arg9[%swap3A_230, %swap3A_231] {strides = array<i32>} : memref<2x128xi32, #tpu.memory_space<vmem>>, vector<16xi32>,
      tpu.vector_store %arg9[%swap3A_230, %swap3A_231], %mul3A_224 {strides = array<i32>} : memref<2x128xi32, #tpu.memory_space<vmem>>, vector<16xi32>,
      %swap3A_233 = arith.constant 0 : i32
      %swap3A_234 = arith.index_cast %swap3A_233 : i32 to index
      %swap3A_235 = arith.constant 32 : index
      %swap3A_236 = tpu.vector_load %arg9[%swap3A_234, %swap3A_235] {strides = array<i32>} : memref<2x128xi32, #tpu.memory_space<vmem>>, vector<16xi32>,
      tpu.vector_store %arg9[%swap3A_234, %swap3A_235], %mul3A_224 {strides = array<i32>} : memref<2x128xi32, #tpu.memory_space<vmem>>, vector<16xi32>,
      %swap3A_237 = arith.constant 0 : i32
      %swap3A_238 = arith.index_cast %swap3A_237 : i32 to index
      %swap3A_239 = arith.constant 48 : index
      %swap3A_240 = tpu.vector_load %arg9[%swap3A_238, %swap3A_239] {strides = array<i32>} : memref<2x128xi32, #tpu.memory_space<vmem>>, vector<16xi32>,
      tpu.vector_store %arg9[%swap3A_238, %swap3A_239], %mul3A_224 {strides = array<i32>} : memref<2x128xi32, #tpu.memory_space<vmem>>, vector<16xi32>,
      %swap3A_241 = arith.constant 0 : i32
      %swap3A_242 = arith.index_cast %swap3A_241 : i32 to index
      %swap3A_243 = arith.constant 64 : index
      %swap3A_244 = tpu.vector_load %arg9[%swap3A_242, %swap3A_243] {strides = array<i32>} : memref<2x128xi32, #tpu.memory_space<vmem>>, vector<16xi32>,
      tpu.vector_store %arg9[%swap3A_242, %swap3A_243], %mul3A_224 {strides = array<i32>} : memref<2x128xi32, #tpu.memory_space<vmem>>, vector<16xi32>,
      %swap3A_245 = arith.constant 0 : i32
      %swap3A_246 = arith.index_cast %swap3A_245 : i32 to index
      %swap3A_247 = arith.constant 80 : index
      %swap3A_248 = tpu.vector_load %arg9[%swap3A_246, %swap3A_247] {strides = array<i32>} : memref<2x128xi32, #tpu.memory_space<vmem>>, vector<16xi32>,
      tpu.vector_store %arg9[%swap3A_246, %swap3A_247], %mul3A_224 {strides = array<i32>} : memref<2x128xi32, #tpu.memory_space<vmem>>, vector<16xi32>,
      %swap3A_249 = arith.constant 0 : i32
      %swap3A_250 = arith.index_cast %swap3A_249 : i32 to index
      %swap3A_251 = arith.constant 96 : index
      %swap3A_252 = tpu.vector_load %arg9[%swap3A_250, %swap3A_251] {strides = array<i32>} : memref<2x128xi32, #tpu.memory_space<vmem>>, vector<16xi32>,
      tpu.vector_store %arg9[%swap3A_250, %swap3A_251], %mul3A_224 {strides = array<i32>} : memref<2x128xi32, #tpu.memory_space<vmem>>, vector<16xi32>,
      %swap3A_253 = arith.constant 0 : i32
      %swap3A_254 = arith.index_cast %swap3A_253 : i32 to index
      %swap3A_255 = arith.constant 112 : index
      %swap3A_256 = tpu.vector_load %arg9[%swap3A_254, %swap3A_255] {strides = array<i32>} : memref<2x128xi32, #tpu.memory_space<vmem>>, vector<16xi32>,
      tpu.vector_store %arg9[%swap3A_254, %swap3A_255], %mul3A_224 {strides = array<i32>} : memref<2x128xi32, #tpu.memory_space<vmem>>, vector<16xi32>,
      %swap3A_257 = arith.constant 1 : i32
      %swap3A_258 = arith.index_cast %swap3A_257 : i32 to index
      %swap3A_259 = arith.constant 0 : index
      %swap3A_260 = tpu.vector_load %arg9[%swap3A_258, %swap3A_259] {strides = array<i32>} : memref<2x128xi32, #tpu.memory_space<vmem>>, vector<16xi32>,
      tpu.vector_store %arg9[%swap3A_258, %swap3A_259], %mul3A_224 {strides = array<i32>} : memref<2x128xi32, #tpu.memory_space<vmem>>, vector<16xi32>,
      %swap3A_261 = arith.constant 1 : i32
      %swap3A_262 = arith.index_cast %swap3A_261 : i32 to index
      %swap3A_263 = arith.constant 16 : index
      %swap3A_264 = tpu.vector_load %arg9[%swap3A_262, %swap3A_263] {strides = array<i32>} : memref<2x128xi32, #tpu.memory_space<vmem>>, vector<16xi32>,
      tpu.vector_store %arg9[%swap3A_262, %swap3A_263], %mul3A_224 {strides = array<i32>} : memref<2x128xi32, #tpu.memory_space<vmem>>, vector<16xi32>,
      %swap3A_265 = arith.constant 1 : i32
      %swap3A_266 = arith.index_cast %swap3A_265 : i32 to index
      %swap3A_267 = arith.constant 32 : index
      %swap3A_268 = tpu.vector_load %arg9[%swap3A_266, %swap3A_267] {strides = array<i32>} : memref<2x128xi32, #tpu.memory_space<vmem>>, vector<16xi32>,
      tpu.vector_store %arg9[%swap3A_266, %swap3A_267], %mul3A_224 {strides = array<i32>} : memref<2x128xi32, #tpu.memory_space<vmem>>, vector<16xi32>,
      %swap3A_269 = arith.constant 1 : i32
      %swap3A_270 = arith.index_cast %swap3A_269 : i32 to index
      %swap3A_271 = arith.constant 48 : index
      %swap3A_272 = tpu.vector_load %arg9[%swap3A_270, %swap3A_271] {strides = array<i32>} : memref<2x128xi32, #tpu.memory_space<vmem>>, vector<16xi32>,
      tpu.vector_store %arg9[%swap3A_270, %swap3A_271], %mul3A_224 {strides = array<i32>} : memref<2x128xi32, #tpu.memory_space<vmem>>, vector<16xi32>,
      %swap3A_273 = arith.constant 1 : i32
      %swap3A_274 = arith.index_cast %swap3A_273 : i32 to index
      %swap3A_275 = arith.constant 64 : index
      %swap3A_276 = tpu.vector_load %arg9[%swap3A_274, %swap3A_275] {strides = array<i32>} : memref<2x128xi32, #tpu.memory_space<vmem>>, vector<16xi32>,
      tpu.vector_store %arg9[%swap3A_274, %swap3A_275], %mul3A_224 {strides = array<i32>} : memref<2x128xi32, #tpu.memory_space<vmem>>, vector<16xi32>,
      %swap3A_277 = arith.constant 1 : i32
      %swap3A_278 = arith.index_cast %swap3A_277 : i32 to index
      %swap3A_279 = arith.constant 80 : index
      %swap3A_280 = tpu.vector_load %arg9[%swap3A_278, %swap3A_279] {strides = array<i32>} : memref<2x128xi32, #tpu.memory_space<vmem>>, vector<16xi32>,
      tpu.vector_store %arg9[%swap3A_278, %swap3A_279], %mul3A_224 {strides = array<i32>} : memref<2x128xi32, #tpu.memory_space<vmem>>, vector<16xi32>,
      %swap3A_281 = arith.constant 1 : i32
      %swap3A_282 = arith.index_cast %swap3A_281 : i32 to index
      %swap3A_283 = arith.constant 96 : index
      %swap3A_284 = tpu.vector_load %arg9[%swap3A_282, %swap3A_283] {strides = array<i32>} : memref<2x128xi32, #tpu.memory_space<vmem>>, vector<16xi32>,
      tpu.vector_store %arg9[%swap3A_282, %swap3A_283], %mul3A_224 {strides = array<i32>} : memref<2x128xi32, #tpu.memory_space<vmem>>, vector<16xi32>,
      %swap3A_285 = arith.constant 1 : i32
      %swap3A_286 = arith.index_cast %swap3A_285 : i32 to index
      %swap3A_287 = arith.constant 112 : index
      %swap3A_288 = tpu.vector_load %arg9[%swap3A_286, %swap3A_287] {strides = array<i32>} : memref<2x128xi32, #tpu.memory_space<vmem>>, vector<16xi32>,
      tpu.vector_store %arg9[%swap3A_286, %swap3A_287], %mul3A_224 {strides = array<i32>} : memref<2x128xi32, #tpu.memory_space<vmem>>, vector<16xi32>,
      %broadcast_in_dim3A = arith.constant 0x7F800000 : f32
      %broadcast_in_dim3A_289 = vector.broadcast %broadcast_in_dim3A : f32 to vector<16xf32>
      %eq3A = arith.constant 0 : i32
      %eq3A_290 = vector.broadcast %eq3A : i32 to vector<16xi32>
      %eq3A_291 = arith.cmpi eq, %iota3A, %eq3A_290 : vector<16xi32>
      %broadcast_in_dim3A_292 = arith.constant 256 : i32
      %broadcast_in_dim3A_293 = vector.broadcast %broadcast_in_dim3A_292 : i32 to vector<16xi32>
      %scan3A = arith.constant 0 : i32
      %scan3A_294 = arith.constant 511 : i32
      %scan3A_295 = arith.addi %scan3A, %scan3A_294 : i32
      %scan3A_296 = arith.constant 1 : i32
      %scan3A_297:2 = scf.for %scan3A_341 = %scan3A to %scan3A_295 step %scan3A_296 iter_args(%scan3A_342 = %broadcast_in_dim3A_293, %scan3A_343 = %broadcast_in_dim3A_293) -> (vector<16xi32>, vector<16xi32>)  : i32 {
        %gt3A = arith.constant 0 : i32
        %gt3A_344 = vector.broadcast %gt3A : i32 to vector<16xi32>
        %gt3A_345 = arith.cmpi sgt, %scan3A_342, %gt3A_344 : vector<16xi32>
        %gt3A_346 = arith.constant 0 : i32
        %gt3A_347 = vector.broadcast %gt3A_346 : i32 to vector<16xi32>
        %gt3A_348 = arith.cmpi sgt, %scan3A_343, %gt3A_347 : vector<16xi32>
        %and3A = arith.andi %gt3A_345, %gt3A_348 : vector<16xi1>
        %sub3A = arith.constant 1 : i32
        %sub3A_349 = vector.broadcast %sub3A : i32 to vector<16xi32>
        %sub3A_350 = arith.subi %scan3A_342, %sub3A_349 : vector<16xi32>
        %sub3A_351 = arith.constant 1 : i32
        %sub3A_352 = vector.broadcast %sub3A_351 : i32 to vector<16xi32>
        %sub3A_353 = arith.subi %scan3A_343, %sub3A_352 : vector<16xi32>
        %ge3A = arith.constant 1 : i32
        %ge3A_354 = vector.broadcast %ge3A : i32 to vector<16xi32>
        %ge3A_355 = arith.cmpi sge, %sub3A_350, %ge3A_354 : vector<16xi32>
        %ge3A_356 = arith.constant 1 : i32
        %ge3A_357 = vector.broadcast %ge3A_356 : i32 to vector<16xi32>
        %ge3A_358 = arith.cmpi sge, %sub3A_353, %ge3A_357 : vector<16xi32>
        %and3A_359 = arith.andi %ge3A_355, %ge3A_358 : vector<16xi1>
        %sub3A_360 = arith.constant 1 : i32
        %sub3A_361 = vector.broadcast %sub3A_360 : i32 to vector<16xi32>
        %sub3A_362 = arith.subi %sub3A_350, %sub3A_361 : vector<16xi32>
        %max3A = arith.constant 0 : i32
        %max3A_363 = vector.broadcast %max3A : i32 to vector<16xi32>
        %max3A_364 = arith.maxsi %sub3A_362, %max3A_363 : vector<16xi32>
        %sub3A_365 = arith.constant 1 : i32
        %sub3A_366 = vector.broadcast %sub3A_365 : i32 to vector<16xi32>
        %sub3A_367 = arith.subi %sub3A_353, %sub3A_366 : vector<16xi32>
        %max3A_368 = arith.constant 0 : i32
        %max3A_369 = vector.broadcast %max3A_368 : i32 to vector<16xi32>
        %max3A_370 = arith.maxsi %sub3A_367, %max3A_369 : vector<16xi32>
        %gather3A = tpu.vector_load_idx %arg6[%max3A_364, %max3A_370] : memref<256x256xf32, #tpu.memory_space<vmem>>[vector<16xi32>, vector<16xi32>], vector<16xf32>,
        %eq3A_371 = arith.constant 0 : i32
        %eq3A_372 = vector.broadcast %eq3A_371 : i32 to vector<16xi32>
        %eq3A_373 = arith.cmpi eq, %sub3A_350, %eq3A_372 : vector<16xi32>
        %eq3A_374 = arith.constant 0 : i32
        %eq3A_375 = vector.broadcast %eq3A_374 : i32 to vector<16xi32>
        %eq3A_376 = arith.cmpi eq, %sub3A_353, %eq3A_375 : vector<16xi32>
        %and3A_377 = arith.andi %eq3A_373, %eq3A_376 : vector<16xi1>
        %jit3A = arith.constant 0.000000e+00 : f32
        %broadcast_in_dim3A_378 = vector.broadcast %jit3A : f32 to vector<16xf32>
        %select_n3A = arith.select %and3A_377, %broadcast_in_dim3A_378, %broadcast_in_dim3A_289 : vector<16xi1>, vector<16xf32>
        %select_n3A_379 = arith.select %and3A_359, %gather3A, %select_n3A : vector<16xi1>, vector<16xf32>
        %ge3A_380 = arith.constant 1 : i32
        %ge3A_381 = vector.broadcast %ge3A_380 : i32 to vector<16xi32>
        %ge3A_382 = arith.cmpi sge, %sub3A_350, %ge3A_381 : vector<16xi32>
        %ge3A_383 = arith.constant 1 : i32
        %ge3A_384 = vector.broadcast %ge3A_383 : i32 to vector<16xi32>
        %ge3A_385 = arith.cmpi sge, %scan3A_343, %ge3A_384 : vector<16xi32>
        %and3A_386 = arith.andi %ge3A_382, %ge3A_385 : vector<16xi1>
        %sub3A_387 = arith.constant 1 : i32
        %sub3A_388 = vector.broadcast %sub3A_387 : i32 to vector<16xi32>
        %sub3A_389 = arith.subi %sub3A_350, %sub3A_388 : vector<16xi32>
        %max3A_390 = arith.constant 0 : i32
        %max3A_391 = vector.broadcast %max3A_390 : i32 to vector<16xi32>
        %max3A_392 = arith.maxsi %sub3A_389, %max3A_391 : vector<16xi32>
        %sub3A_393 = arith.constant 1 : i32
        %sub3A_394 = vector.broadcast %sub3A_393 : i32 to vector<16xi32>
        %sub3A_395 = arith.subi %scan3A_343, %sub3A_394 : vector<16xi32>
        %max3A_396 = arith.constant 0 : i32
        %max3A_397 = vector.broadcast %max3A_396 : i32 to vector<16xi32>
        %max3A_398 = arith.maxsi %sub3A_395, %max3A_397 : vector<16xi32>
        %gather3A_399 = tpu.vector_load_idx %arg6[%max3A_392, %max3A_398] : memref<256x256xf32, #tpu.memory_space<vmem>>[vector<16xi32>, vector<16xi32>], vector<16xf32>,
        %eq3A_400 = arith.constant 0 : i32
        %eq3A_401 = vector.broadcast %eq3A_400 : i32 to vector<16xi32>
        %eq3A_402 = arith.cmpi eq, %sub3A_350, %eq3A_401 : vector<16xi32>
        %eq3A_403 = arith.constant 0 : i32
        %eq3A_404 = vector.broadcast %eq3A_403 : i32 to vector<16xi32>
        %eq3A_405 = arith.cmpi eq, %scan3A_343, %eq3A_404 : vector<16xi32>
        %and3A_406 = arith.andi %eq3A_402, %eq3A_405 : vector<16xi1>
        %jit3A_407 = arith.constant 0.000000e+00 : f32
        %broadcast_in_dim3A_408 = vector.broadcast %jit3A_407 : f32 to vector<16xf32>
        %select_n3A_409 = arith.select %and3A_406, %broadcast_in_dim3A_408, %broadcast_in_dim3A_289 : vector<16xi1>, vector<16xf32>
        %select_n3A_410 = arith.select %and3A_386, %gather3A_399, %select_n3A_409 : vector<16xi1>, vector<16xf32>
        %ge3A_411 = arith.constant 1 : i32
        %ge3A_412 = vector.broadcast %ge3A_411 : i32 to vector<16xi32>
        %ge3A_413 = arith.cmpi sge, %scan3A_342, %ge3A_412 : vector<16xi32>
        %ge3A_414 = arith.constant 1 : i32
        %ge3A_415 = vector.broadcast %ge3A_414 : i32 to vector<16xi32>
        %ge3A_416 = arith.cmpi sge, %sub3A_353, %ge3A_415 : vector<16xi32>
        %and3A_417 = arith.andi %ge3A_413, %ge3A_416 : vector<16xi1>
        %sub3A_418 = arith.constant 1 : i32
        %sub3A_419 = vector.broadcast %sub3A_418 : i32 to vector<16xi32>
        %sub3A_420 = arith.subi %scan3A_342, %sub3A_419 : vector<16xi32>
        %max3A_421 = arith.constant 0 : i32
        %max3A_422 = vector.broadcast %max3A_421 : i32 to vector<16xi32>
        %max3A_423 = arith.maxsi %sub3A_420, %max3A_422 : vector<16xi32>
        %sub3A_424 = arith.constant 1 : i32
        %sub3A_425 = vector.broadcast %sub3A_424 : i32 to vector<16xi32>
        %sub3A_426 = arith.subi %sub3A_353, %sub3A_425 : vector<16xi32>
        %max3A_427 = arith.constant 0 : i32
        %max3A_428 = vector.broadcast %max3A_427 : i32 to vector<16xi32>
        %max3A_429 = arith.maxsi %sub3A_426, %max3A_428 : vector<16xi32>
        %gather3A_430 = tpu.vector_load_idx %arg6[%max3A_423, %max3A_429] : memref<256x256xf32, #tpu.memory_space<vmem>>[vector<16xi32>, vector<16xi32>], vector<16xf32>,
        %eq3A_431 = arith.constant 0 : i32
        %eq3A_432 = vector.broadcast %eq3A_431 : i32 to vector<16xi32>
        %eq3A_433 = arith.cmpi eq, %scan3A_342, %eq3A_432 : vector<16xi32>
        %eq3A_434 = arith.constant 0 : i32
        %eq3A_435 = vector.broadcast %eq3A_434 : i32 to vector<16xi32>
        %eq3A_436 = arith.cmpi eq, %sub3A_353, %eq3A_435 : vector<16xi32>
        %and3A_437 = arith.andi %eq3A_433, %eq3A_436 : vector<16xi1>
        %jit3A_438 = arith.constant 0.000000e+00 : f32
        %broadcast_in_dim3A_439 = vector.broadcast %jit3A_438 : f32 to vector<16xf32>
        %select_n3A_440 = arith.select %and3A_437, %broadcast_in_dim3A_439, %broadcast_in_dim3A_289 : vector<16xi1>, vector<16xf32>
        %select_n3A_441 = arith.select %and3A_417, %gather3A_430, %select_n3A_440 : vector<16xi1>, vector<16xf32>
        %le3A = arith.cmpf ole, %select_n3A_379, %select_n3A_410 : vector<16xf32>
        %le3A_442 = arith.cmpf ole, %select_n3A_379, %select_n3A_441 : vector<16xf32>
        %and3A_443 = arith.andi %le3A, %le3A_442 : vector<16xi1>
        %not3A = arith.constant dense<true> : vector<16xi1>
        %not3A_444 = arith.xori %and3A_443, %not3A : vector<16xi1>
        %le3A_445 = arith.cmpf ole, %select_n3A_410, %select_n3A_441 : vector<16xf32>
        %and3A_446 = arith.andi %not3A_444, %le3A_445 : vector<16xi1>
        %not3A_447 = arith.constant dense<true> : vector<16xi1>
        %not3A_448 = arith.xori %and3A_443, %not3A_447 : vector<16xi1>
        %not3A_449 = arith.constant dense<true> : vector<16xi1>
        %not3A_450 = arith.xori %and3A_446, %not3A_449 : vector<16xi1>
        %and3A_451 = arith.andi %not3A_448, %not3A_450 : vector<16xi1>
        %max3A_452 = arith.constant 0 : i32
        %max3A_453 = vector.broadcast %max3A_452 : i32 to vector<16xi32>
        %max3A_454 = arith.maxsi %sub3A_353, %max3A_453 : vector<16xi32>
        %shift_right_arithmetic3A = arith.constant 7 : i32
        %shift_right_arithmetic3A_455 = vector.broadcast %shift_right_arithmetic3A : i32 to vector<16xi32>
        %shift_right_arithmetic3A_456 = arith.shrsi %max3A_454, %shift_right_arithmetic3A_455 : vector<16xi32>
        %and3A_457 = arith.constant 127 : i32
        %and3A_458 = vector.broadcast %and3A_457 : i32 to vector<16xi32>
        %and3A_459 = arith.andi %max3A_454, %and3A_458 : vector<16xi32>
        %gather3A_460 = tpu.vector_load_idx %arg9[%shift_right_arithmetic3A_456, %and3A_459] : memref<2x128xi32, #tpu.memory_space<vmem>>[vector<16xi32>, vector<16xi32>], vector<16xi32>,
        %add3A_461 = arith.addi %mul3A_224, %sub3A_350 : vector<16xi32>
        %max3A_462 = arith.maxsi %gather3A_460, %add3A_461 : vector<16xi32>
        %shift_right_arithmetic3A_463 = arith.constant 7 : i32
        %shift_right_arithmetic3A_464 = vector.broadcast %shift_right_arithmetic3A_463 : i32 to vector<16xi32>
        %shift_right_arithmetic3A_465 = arith.shrsi %max3A_454, %shift_right_arithmetic3A_464 : vector<16xi32>
        %and3A_466 = arith.constant 127 : i32
        %and3A_467 = vector.broadcast %and3A_466 : i32 to vector<16xi32>
        %and3A_468 = arith.andi %max3A_454, %and3A_467 : vector<16xi32>
        %and3A_469 = arith.andi %eq3A_291, %and3A : vector<16xi1>
        tpu.vector_store_idx %arg9[%shift_right_arithmetic3A_465, %and3A_468], %max3A_462 masked %and3A_469 : memref<2x128xi32, #tpu.memory_space<vmem>>[vector<16xi32>, vector<16xi32>], vector<16xi32>, vector<16xi1>
        %not3A_470 = arith.constant dense<true> : vector<16xi1>
        %not3A_471 = arith.xori %and3A_451, %not3A_470 : vector<16xi1>
        %and3A_472 = arith.andi %and3A, %not3A_471 : vector<16xi1>
        %select_n3A_473 = arith.select %and3A_472, %sub3A_350, %scan3A_342 : vector<16xi1>, vector<16xi32>
        %not3A_474 = arith.constant dense<true> : vector<16xi1>
        %not3A_475 = arith.xori %and3A_446, %not3A_474 : vector<16xi1>
        %and3A_476 = arith.andi %and3A, %not3A_475 : vector<16xi1>
        %select_n3A_477 = arith.select %and3A_476, %sub3A_353, %scan3A_343 : vector<16xi1>, vector<16xi32>
        scf.yield %select_n3A_473, %select_n3A_477 : vector<16xi32>, vector<16xi32>
      }
      %scan3A_298 = arith.constant 511 : i32
      %dma_start3A_299 = arith.constant 0 : i32
      %dma_start3A_300 = arith.constant 0 : i32
      %dma_start3A_301 = arith.constant 0 : i32
      %dma_start3A_302 = tpu.memref_slice %arg10[%dma_start3A_300, %dma_start3A_301] : memref<256x128xf32, #tpu.memory_space<vmem>> -> memref<128x128xf32, #tpu.memory_space<vmem>>
      %dma_start3A_303 = arith.constant 0 : i32
      %dma_start3A_304 = tpu.memref_slice %arg9[%dma_start3A_299, %dma_start3A_303] : memref<2x128xi32, #tpu.memory_space<vmem>> -> memref<1x128xi32, #tpu.memory_space<vmem>>
      %dma_start3A_305 = tpu.memref_squeeze %dma_start3A_304 : memref<1x128xi32, #tpu.memory_space<vmem>> -> memref<128xi32, #tpu.memory_space<vmem>>
      %dma_start3A_306 = arith.constant 0 : i32
      %dma_start3A_307 = arith.constant 0 : i32
      %dma_start3A_308 = tpu.memref_slice %arg4[%dma_start3A_306, %dma_start3A_307] : memref<2048x128xf32, #tpu.memory_space<hbm>> -> memref<2048x128xf32, #tpu.memory_space<hbm>>
      tpu.enqueue_indirect_dma source(%dma_start3A_308 : memref<2048x128xf32, #tpu.memory_space<hbm>>) target(%dma_start3A_302 : memref<128x128xf32, #tpu.memory_space<vmem>>) offsets(%dma_start3A_305 : memref<128xi32, #tpu.memory_space<vmem>>) semaphore(%arg11 : memref<!tpu.dma_semaphore, #tpu.memory_space<semaphore_mem>>)
      %dma_wait3A_309 = arith.constant 0 : i32
      %dma_wait3A_310 = arith.constant 0 : i32
      %dma_wait3A_311 = arith.constant 0 : i32
      %dma_wait3A_312 = tpu.memref_slice %arg10[%dma_wait3A_310, %dma_wait3A_311] : memref<256x128xf32, #tpu.memory_space<vmem>> -> memref<128x128xf32, #tpu.memory_space<vmem>>
      %dma_wait3A_313 = arith.constant 0 : i32
      %dma_wait3A_314 = tpu.memref_slice %arg9[%dma_wait3A_309, %dma_wait3A_313] : memref<2x128xi32, #tpu.memory_space<vmem>> -> memref<1x128xi32, #tpu.memory_space<vmem>>
      %dma_wait3A_315 = tpu.memref_squeeze %dma_wait3A_314 : memref<1x128xi32, #tpu.memory_space<vmem>> -> memref<128xi32, #tpu.memory_space<vmem>>
      %dma_wait3A_316 = arith.constant 0 : i32
      %dma_wait3A_317 = arith.constant 0 : i32
      %dma_wait3A_318 = tpu.memref_slice %arg4[%dma_wait3A_316, %dma_wait3A_317] : memref<2048x128xf32, #tpu.memory_space<hbm>> -> memref<2048x128xf32, #tpu.memory_space<hbm>>
      tpu.wait_indirect_dma semaphore(%arg11 : memref<!tpu.dma_semaphore, #tpu.memory_space<semaphore_mem>>) src(%dma_wait3A_318 : memref<2048x128xf32, #tpu.memory_space<hbm>>) dst(%dma_wait3A_312 : memref<128x128xf32, #tpu.memory_space<vmem>>)
      %dma_start3A_319 = arith.constant 1 : i32
      %dma_start3A_320 = arith.constant 128 : i32
      %dma_start3A_321 = arith.constant 0 : i32
      %dma_start3A_322 = tpu.memref_slice %arg10[%dma_start3A_320, %dma_start3A_321] : memref<256x128xf32, #tpu.memory_space<vmem>> -> memref<128x128xf32, #tpu.memory_space<vmem>>
      %dma_start3A_323 = arith.constant 0 : i32
      %dma_start3A_324 = tpu.memref_slice %arg9[%dma_start3A_319, %dma_start3A_323] : memref<2x128xi32, #tpu.memory_space<vmem>> -> memref<1x128xi32, #tpu.memory_space<vmem>>
      %dma_start3A_325 = tpu.memref_squeeze %dma_start3A_324 : memref<1x128xi32, #tpu.memory_space<vmem>> -> memref<128xi32, #tpu.memory_space<vmem>>
      %dma_start3A_326 = arith.constant 0 : i32
      %dma_start3A_327 = arith.constant 0 : i32
      %dma_start3A_328 = tpu.memref_slice %arg4[%dma_start3A_326, %dma_start3A_327] : memref<2048x128xf32, #tpu.memory_space<hbm>> -> memref<2048x128xf32, #tpu.memory_space<hbm>>
      tpu.enqueue_indirect_dma source(%dma_start3A_328 : memref<2048x128xf32, #tpu.memory_space<hbm>>) target(%dma_start3A_322 : memref<128x128xf32, #tpu.memory_space<vmem>>) offsets(%dma_start3A_325 : memref<128xi32, #tpu.memory_space<vmem>>) semaphore(%arg11 : memref<!tpu.dma_semaphore, #tpu.memory_space<semaphore_mem>>)
      %dma_wait3A_329 = arith.constant 1 : i32
      %dma_wait3A_330 = arith.constant 128 : i32
      %dma_wait3A_331 = arith.constant 0 : i32
      %dma_wait3A_332 = tpu.memref_slice %arg10[%dma_wait3A_330, %dma_wait3A_331] : memref<256x128xf32, #tpu.memory_space<vmem>> -> memref<128x128xf32, #tpu.memory_space<vmem>>
      %dma_wait3A_333 = arith.constant 0 : i32
      %dma_wait3A_334 = tpu.memref_slice %arg9[%dma_wait3A_329, %dma_wait3A_333] : memref<2x128xi32, #tpu.memory_space<vmem>> -> memref<1x128xi32, #tpu.memory_space<vmem>>
      %dma_wait3A_335 = tpu.memref_squeeze %dma_wait3A_334 : memref<1x128xi32, #tpu.memory_space<vmem>> -> memref<128xi32, #tpu.memory_space<vmem>>
      %dma_wait3A_336 = arith.constant 0 : i32
      %dma_wait3A_337 = arith.constant 0 : i32
      %dma_wait3A_338 = tpu.memref_slice %arg4[%dma_wait3A_336, %dma_wait3A_337] : memref<2048x128xf32, #tpu.memory_space<hbm>> -> memref<2048x128xf32, #tpu.memory_space<hbm>>
      tpu.wait_indirect_dma semaphore(%arg11 : memref<!tpu.dma_semaphore, #tpu.memory_space<semaphore_mem>>) src(%dma_wait3A_338 : memref<2048x128xf32, #tpu.memory_space<hbm>>) dst(%dma_wait3A_332 : memref<128x128xf32, #tpu.memory_space<vmem>>)
      %mul3A_339 = arith.constant 256 : i32
      %mul3A_340 = arith.muli %add3A, %mul3A_339 : i32
      "tpu.region"() ({
        %run_scoped3A = tpu.sem_alloc : memref<!tpu.dma_semaphore, #tpu.memory_space<semaphore_mem>>
        %dma_start3A_341 = arith.constant 0 : i32
        %dma_start3A_342 = tpu.memref_slice %arg5[%mul3A_340, %dma_start3A_341] : memref<2048x128xf32, #tpu.memory_space<hbm>> -> memref<256x128xf32, #tpu.memory_space<hbm>>
        %dma_start3A_343 = arith.constant 0 : i32
        %dma_start3A_344 = tpu.memref_slice %arg5[%mul3A_340, %dma_start3A_343] : memref<2048x128xf32, #tpu.memory_space<hbm>> -> memref<256x128xf32, #tpu.memory_space<hbm>>
        tpu.enqueue_dma source(%arg10 : memref<256x128xf32, #tpu.memory_space<vmem>>) target(%dma_start3A_344 : memref<256x128xf32, #tpu.memory_space<hbm>>) target_semaphore(%run_scoped3A : memref<!tpu.dma_semaphore, #tpu.memory_space<semaphore_mem>>)
        %dma_wait3A_345 = arith.constant 0 : i32
        %dma_wait3A_346 = tpu.memref_slice %arg5[%mul3A_340, %dma_wait3A_345] : memref<2048x128xf32, #tpu.memory_space<hbm>> -> memref<256x128xf32, #tpu.memory_space<hbm>>
        %dma_wait3A_347 = arith.constant 0 : i32
        %dma_wait3A_348 = tpu.memref_slice %arg5[%mul3A_340, %dma_wait3A_347] : memref<2048x128xf32, #tpu.memory_space<hbm>> -> memref<256x128xf32, #tpu.memory_space<hbm>>
        tpu.wait_dma2 semaphore(%run_scoped3A : memref<!tpu.dma_semaphore, #tpu.memory_space<semaphore_mem>>) src(%arg10 : memref<256x128xf32, #tpu.memory_space<vmem>>) dst(%dma_wait3A_348 : memref<256x128xf32, #tpu.memory_space<hbm>>)
        tpu.yield
      }) : () -> ()
    } else {
    }
    return
  }
}

module attributes {stable_mosaic.version = 14 : i64} {
  func.func @_dtw_fused_kernel(%arg0: i32, %arg1: memref<256x128xf32, #tpu.memory_space<vmem>>, %arg2: memref<1x256x128xf32, #tpu.memory_space<vmem>>, %arg3: memref<2048x128xf32, #tpu.memory_space<vmem>>, %arg4: memref<16384x256xf32, #tpu.memory_space<vmem>>, %arg5: memref<8x1x16xi32, #tpu.memory_space<vmem>>, %arg6: memref<8x2048x256xf32, #tpu.memory_space<vmem>>) attributes {dimension_semantics = [#tpu.dimension_semantics<arbitrary>], iteration_bounds = array<i64: 9>, scalar_prefetch = 0 : i64, scratch_operands = 1 : i64, tpu.core_type = #tpu.core_type<tc>, window_params = [{pipeline_mode = #tpu.pipeline_mode<synchronous>, transform_indices = @transform_0, window_bounds = array<i64: 256, 128>}, {transform_indices = @transform_1, window_bounds = array<i64: 1, 256, 128>}, {pipeline_mode = #tpu.pipeline_mode<synchronous>, transform_indices = @transform_2, window_bounds = array<i64: 2048, 128>}, {pipeline_mode = #tpu.pipeline_mode<synchronous>, transform_indices = @transform_3, window_bounds = array<i64: 16384, 256>}, {pipeline_mode = #tpu.pipeline_mode<synchronous>, transform_indices = @transform_4, window_bounds = array<i64: 8, 1, 16>}]} {
    %lt3A = arith.constant 8 : i32
    %lt3A_0 = arith.cmpi slt, %arg0, %lt3A : i32
    %convert_element_type3A = arith.extui %lt3A_0 : i1 to i32
    %cond3A = arith.constant 0 : i32
    %cond3A_1 = arith.cmpi ne, %convert_element_type3A, %cond3A : i32
    scf.if %cond3A_1 {
      %get3A = arith.constant 0 : index
      %get3A_7 = arith.constant 0 : index
      %get3A_8 = arith.constant 0 : index
      %get3A_9 = vector.load %arg2[%get3A, %get3A_7, %get3A_8] : memref<1x256x128xf32, #tpu.memory_space<vmem>>, vector<1x256x128xf32>
      %get3A_10 = vector.shape_cast %get3A_9 : vector<1x256x128xf32> to vector<256x128xf32>
      %get3A_11 = arith.constant 0 : index
      %get3A_12 = arith.constant 0 : index
      %get3A_13 = vector.load %arg1[%get3A_11, %get3A_12] : memref<256x128xf32, #tpu.memory_space<vmem>>, vector<256x128xf32>
      %add3A = arith.addf %get3A_10, %get3A_13 : vector<256x128xf32>
      %mul3A = arith.mulf %add3A, %add3A : vector<256x128xf32>
      %reduce_sum3A = arith.constant dense<0.000000e+00> : vector<256xf32>
      %reduce_sum3A_14 = vector.multi_reduction <add>, %mul3A, %reduce_sum3A [1] : vector<256x128xf32> to vector<256xf32>
      %get3A_15 = arith.constant 0 : index
      %get3A_16 = arith.constant 0 : index
      %get3A_17 = vector.load %arg3[%get3A_15, %get3A_16] : memref<2048x128xf32, #tpu.memory_space<vmem>>, vector<256x128xf32>
      %mul3A_18 = arith.mulf %get3A_17, %get3A_17 : vector<256x128xf32>
      %reduce_sum3A_19 = arith.constant dense<0.000000e+00> : vector<256xf32>
      %reduce_sum3A_20 = vector.multi_reduction <add>, %mul3A_18, %reduce_sum3A_19 [1] : vector<256x128xf32> to vector<256xf32>
      %broadcast_in_dim3A = vector.shape_cast %reduce_sum3A_20 : vector<256xf32> to vector<256x1xf32>
      %dot_general3A = arith.constant dense<0.000000e+00> : vector<256x256xf32>
      %dot_general3A_21 = tpu.matmul %get3A_17, %add3A, %dot_general3A {dimension_numbers = #tpu.dot_dimension_numbers<[1], [1], [0], [0], [0, 0, 1, 0], [], []>, transpose_lhs_hint = false} : vector<256x128xf32>, vector<256x128xf32>, vector<256x256xf32> -> vector<256x256xf32>
      %broadcast_in_dim3A_22 = vector.shape_cast %reduce_sum3A_14 : vector<256xf32> to vector<1x256xf32>
      %add3A_23 = vector.broadcast %broadcast_in_dim3A : vector<256x1xf32> to vector<256x256xf32>
      %add3A_24 = vector.broadcast %broadcast_in_dim3A_22 : vector<1x256xf32> to vector<256x256xf32>
      %add3A_25 = arith.addf %add3A_23, %add3A_24 : vector<256x256xf32>
      %mul3A_26 = arith.constant 2.000000e+00 : f32
      %mul3A_27 = vector.broadcast %mul3A_26 : f32 to vector<256x256xf32>
      %mul3A_28 = arith.mulf %mul3A_27, %dot_general3A_21 : vector<256x256xf32>
      %sub3A = arith.subf %add3A_25, %mul3A_28 : vector<256x256xf32>
      %max3A = arith.constant 0.000000e+00 : f32
      %max3A_29 = vector.broadcast %max3A : f32 to vector<256x256xf32>
      %max3A_30 = arith.maximumf %sub3A, %max3A_29 : vector<256x256xf32>
      %broadcast_in_dim3A_31 = arith.constant 0.000000e+00 : f32
      %broadcast_in_dim3A_32 = vector.broadcast %broadcast_in_dim3A_31 : f32 to vector<256x1xf32>
      %slice3A = vector.extract_strided_slice %max3A_30 {offsets = [0, 0], sizes = [256, 255], strides = [1, 1]} : vector<256x256xf32> to vector<256x255xf32>
      %concatenate3A = tpu.concatenate %broadcast_in_dim3A_32, %slice3A in 1 : vector<256x1xf32>, vector<256x255xf32> -> vector<256x256xf32>
      %add3A_33 = arith.addf %max3A_30, %concatenate3A : vector<256x256xf32>
      %broadcast_in_dim3A_34 = arith.constant 0.000000e+00 : f32
      %broadcast_in_dim3A_35 = vector.broadcast %broadcast_in_dim3A_34 : f32 to vector<256x2xf32>
      %slice3A_36 = vector.extract_strided_slice %add3A_33 {offsets = [0, 0], sizes = [256, 254], strides = [1, 1]} : vector<256x256xf32> to vector<256x254xf32>
      %concatenate3A_37 = tpu.concatenate %broadcast_in_dim3A_35, %slice3A_36 in 1 : vector<256x2xf32>, vector<256x254xf32> -> vector<256x256xf32>
      %add3A_38 = arith.addf %add3A_33, %concatenate3A_37 : vector<256x256xf32>
      %broadcast_in_dim3A_39 = arith.constant 0.000000e+00 : f32
      %broadcast_in_dim3A_40 = vector.broadcast %broadcast_in_dim3A_39 : f32 to vector<256x4xf32>
      %slice3A_41 = vector.extract_strided_slice %add3A_38 {offsets = [0, 0], sizes = [256, 252], strides = [1, 1]} : vector<256x256xf32> to vector<256x252xf32>
      %concatenate3A_42 = tpu.concatenate %broadcast_in_dim3A_40, %slice3A_41 in 1 : vector<256x4xf32>, vector<256x252xf32> -> vector<256x256xf32>
      %add3A_43 = arith.addf %add3A_38, %concatenate3A_42 : vector<256x256xf32>
      %broadcast_in_dim3A_44 = arith.constant 0.000000e+00 : f32
      %broadcast_in_dim3A_45 = vector.broadcast %broadcast_in_dim3A_44 : f32 to vector<256x8xf32>
      %slice3A_46 = vector.extract_strided_slice %add3A_43 {offsets = [0, 0], sizes = [256, 248], strides = [1, 1]} : vector<256x256xf32> to vector<256x248xf32>
      %concatenate3A_47 = tpu.concatenate %broadcast_in_dim3A_45, %slice3A_46 in 1 : vector<256x8xf32>, vector<256x248xf32> -> vector<256x256xf32>
      %add3A_48 = arith.addf %add3A_43, %concatenate3A_47 : vector<256x256xf32>
      %broadcast_in_dim3A_49 = arith.constant 0.000000e+00 : f32
      %broadcast_in_dim3A_50 = vector.broadcast %broadcast_in_dim3A_49 : f32 to vector<256x16xf32>
      %slice3A_51 = vector.extract_strided_slice %add3A_48 {offsets = [0, 0], sizes = [256, 240], strides = [1, 1]} : vector<256x256xf32> to vector<256x240xf32>
      %concatenate3A_52 = tpu.concatenate %broadcast_in_dim3A_50, %slice3A_51 in 1 : vector<256x16xf32>, vector<256x240xf32> -> vector<256x256xf32>
      %add3A_53 = arith.addf %add3A_48, %concatenate3A_52 : vector<256x256xf32>
      %broadcast_in_dim3A_54 = arith.constant 0.000000e+00 : f32
      %broadcast_in_dim3A_55 = vector.broadcast %broadcast_in_dim3A_54 : f32 to vector<256x32xf32>
      %slice3A_56 = vector.extract_strided_slice %add3A_53 {offsets = [0, 0], sizes = [256, 224], strides = [1, 1]} : vector<256x256xf32> to vector<256x224xf32>
      %concatenate3A_57 = tpu.concatenate %broadcast_in_dim3A_55, %slice3A_56 in 1 : vector<256x32xf32>, vector<256x224xf32> -> vector<256x256xf32>
      %add3A_58 = arith.addf %add3A_53, %concatenate3A_57 : vector<256x256xf32>
      %broadcast_in_dim3A_59 = arith.constant 0.000000e+00 : f32
      %broadcast_in_dim3A_60 = vector.broadcast %broadcast_in_dim3A_59 : f32 to vector<256x64xf32>
      %slice3A_61 = vector.extract_strided_slice %add3A_58 {offsets = [0, 0], sizes = [256, 192], strides = [1, 1]} : vector<256x256xf32> to vector<256x192xf32>
      %concatenate3A_62 = tpu.concatenate %broadcast_in_dim3A_60, %slice3A_61 in 1 : vector<256x64xf32>, vector<256x192xf32> -> vector<256x256xf32>
      %add3A_63 = arith.addf %add3A_58, %concatenate3A_62 : vector<256x256xf32>
      %broadcast_in_dim3A_64 = arith.constant 0.000000e+00 : f32
      %broadcast_in_dim3A_65 = vector.broadcast %broadcast_in_dim3A_64 : f32 to vector<256x128xf32>
      %slice3A_66 = vector.extract_strided_slice %add3A_63 {offsets = [0, 0], sizes = [256, 128], strides = [1, 1]} : vector<256x256xf32> to vector<256x128xf32>
      %concatenate3A_67 = tpu.concatenate %broadcast_in_dim3A_65, %slice3A_66 in 1 : vector<256x128xf32>, vector<256x128xf32> -> vector<256x256xf32>
      %add3A_68 = arith.addf %add3A_63, %concatenate3A_67 : vector<256x256xf32>
      %swap3A = arith.index_cast %arg0 : i32 to index
      %swap3A_69 = arith.constant 0 : index
      %swap3A_70 = arith.constant 0 : index
      %swap3A_71 = vector.load %arg6[%swap3A, %swap3A_69, %swap3A_70] : memref<8x2048x256xf32, #tpu.memory_space<vmem>>, vector<1x256x256xf32>
      %swap3A_72 = vector.shape_cast %swap3A_71 : vector<1x256x256xf32> to vector<256x256xf32>
      %swap3A_73 = vector.shape_cast %add3A_68 : vector<256x256xf32> to vector<1x256x256xf32>
      tpu.vector_store %arg6[%swap3A, %swap3A_69, %swap3A_70], %swap3A_73 {strides = array<i32>} : memref<8x2048x256xf32, #tpu.memory_space<vmem>>, vector<1x256x256xf32>,
      %get3A_74 = arith.constant 256 : index
      %get3A_75 = arith.constant 0 : index
      %get3A_76 = vector.load %arg3[%get3A_74, %get3A_75] : memref<2048x128xf32, #tpu.memory_space<vmem>>, vector<256x128xf32>
      %mul3A_77 = arith.mulf %get3A_76, %get3A_76 : vector<256x128xf32>
      %reduce_sum3A_78 = arith.constant dense<0.000000e+00> : vector<256xf32>
      %reduce_sum3A_79 = vector.multi_reduction <add>, %mul3A_77, %reduce_sum3A_78 [1] : vector<256x128xf32> to vector<256xf32>
      %broadcast_in_dim3A_80 = vector.shape_cast %reduce_sum3A_79 : vector<256xf32> to vector<256x1xf32>
      %dot_general3A_81 = arith.constant dense<0.000000e+00> : vector<256x256xf32>
      %dot_general3A_82 = tpu.matmul %get3A_76, %add3A, %dot_general3A_81 {dimension_numbers = #tpu.dot_dimension_numbers<[1], [1], [0], [0], [0, 0, 1, 0], [], []>, transpose_lhs_hint = false} : vector<256x128xf32>, vector<256x128xf32>, vector<256x256xf32> -> vector<256x256xf32>
      %broadcast_in_dim3A_83 = vector.shape_cast %reduce_sum3A_14 : vector<256xf32> to vector<1x256xf32>
      %add3A_84 = vector.broadcast %broadcast_in_dim3A_80 : vector<256x1xf32> to vector<256x256xf32>
      %add3A_85 = vector.broadcast %broadcast_in_dim3A_83 : vector<1x256xf32> to vector<256x256xf32>
      %add3A_86 = arith.addf %add3A_84, %add3A_85 : vector<256x256xf32>
      %mul3A_87 = arith.constant 2.000000e+00 : f32
      %mul3A_88 = vector.broadcast %mul3A_87 : f32 to vector<256x256xf32>
      %mul3A_89 = arith.mulf %mul3A_88, %dot_general3A_82 : vector<256x256xf32>
      %sub3A_90 = arith.subf %add3A_86, %mul3A_89 : vector<256x256xf32>
      %max3A_91 = arith.constant 0.000000e+00 : f32
      %max3A_92 = vector.broadcast %max3A_91 : f32 to vector<256x256xf32>
      %max3A_93 = arith.maximumf %sub3A_90, %max3A_92 : vector<256x256xf32>
      %broadcast_in_dim3A_94 = arith.constant 0.000000e+00 : f32
      %broadcast_in_dim3A_95 = vector.broadcast %broadcast_in_dim3A_94 : f32 to vector<256x1xf32>
      %slice3A_96 = vector.extract_strided_slice %max3A_93 {offsets = [0, 0], sizes = [256, 255], strides = [1, 1]} : vector<256x256xf32> to vector<256x255xf32>
      %concatenate3A_97 = tpu.concatenate %broadcast_in_dim3A_95, %slice3A_96 in 1 : vector<256x1xf32>, vector<256x255xf32> -> vector<256x256xf32>
      %add3A_98 = arith.addf %max3A_93, %concatenate3A_97 : vector<256x256xf32>
      %broadcast_in_dim3A_99 = arith.constant 0.000000e+00 : f32
      %broadcast_in_dim3A_100 = vector.broadcast %broadcast_in_dim3A_99 : f32 to vector<256x2xf32>
      %slice3A_101 = vector.extract_strided_slice %add3A_98 {offsets = [0, 0], sizes = [256, 254], strides = [1, 1]} : vector<256x256xf32> to vector<256x254xf32>
      %concatenate3A_102 = tpu.concatenate %broadcast_in_dim3A_100, %slice3A_101 in 1 : vector<256x2xf32>, vector<256x254xf32> -> vector<256x256xf32>
      %add3A_103 = arith.addf %add3A_98, %concatenate3A_102 : vector<256x256xf32>
      %broadcast_in_dim3A_104 = arith.constant 0.000000e+00 : f32
      %broadcast_in_dim3A_105 = vector.broadcast %broadcast_in_dim3A_104 : f32 to vector<256x4xf32>
      %slice3A_106 = vector.extract_strided_slice %add3A_103 {offsets = [0, 0], sizes = [256, 252], strides = [1, 1]} : vector<256x256xf32> to vector<256x252xf32>
      %concatenate3A_107 = tpu.concatenate %broadcast_in_dim3A_105, %slice3A_106 in 1 : vector<256x4xf32>, vector<256x252xf32> -> vector<256x256xf32>
      %add3A_108 = arith.addf %add3A_103, %concatenate3A_107 : vector<256x256xf32>
      %broadcast_in_dim3A_109 = arith.constant 0.000000e+00 : f32
      %broadcast_in_dim3A_110 = vector.broadcast %broadcast_in_dim3A_109 : f32 to vector<256x8xf32>
      %slice3A_111 = vector.extract_strided_slice %add3A_108 {offsets = [0, 0], sizes = [256, 248], strides = [1, 1]} : vector<256x256xf32> to vector<256x248xf32>
      %concatenate3A_112 = tpu.concatenate %broadcast_in_dim3A_110, %slice3A_111 in 1 : vector<256x8xf32>, vector<256x248xf32> -> vector<256x256xf32>
      %add3A_113 = arith.addf %add3A_108, %concatenate3A_112 : vector<256x256xf32>
      %broadcast_in_dim3A_114 = arith.constant 0.000000e+00 : f32
      %broadcast_in_dim3A_115 = vector.broadcast %broadcast_in_dim3A_114 : f32 to vector<256x16xf32>
      %slice3A_116 = vector.extract_strided_slice %add3A_113 {offsets = [0, 0], sizes = [256, 240], strides = [1, 1]} : vector<256x256xf32> to vector<256x240xf32>
      %concatenate3A_117 = tpu.concatenate %broadcast_in_dim3A_115, %slice3A_116 in 1 : vector<256x16xf32>, vector<256x240xf32> -> vector<256x256xf32>
      %add3A_118 = arith.addf %add3A_113, %concatenate3A_117 : vector<256x256xf32>
      %broadcast_in_dim3A_119 = arith.constant 0.000000e+00 : f32
      %broadcast_in_dim3A_120 = vector.broadcast %broadcast_in_dim3A_119 : f32 to vector<256x32xf32>
      %slice3A_121 = vector.extract_strided_slice %add3A_118 {offsets = [0, 0], sizes = [256, 224], strides = [1, 1]} : vector<256x256xf32> to vector<256x224xf32>
      %concatenate3A_122 = tpu.concatenate %broadcast_in_dim3A_120, %slice3A_121 in 1 : vector<256x32xf32>, vector<256x224xf32> -> vector<256x256xf32>
      %add3A_123 = arith.addf %add3A_118, %concatenate3A_122 : vector<256x256xf32>
      %broadcast_in_dim3A_124 = arith.constant 0.000000e+00 : f32
      %broadcast_in_dim3A_125 = vector.broadcast %broadcast_in_dim3A_124 : f32 to vector<256x64xf32>
      %slice3A_126 = vector.extract_strided_slice %add3A_123 {offsets = [0, 0], sizes = [256, 192], strides = [1, 1]} : vector<256x256xf32> to vector<256x192xf32>
      %concatenate3A_127 = tpu.concatenate %broadcast_in_dim3A_125, %slice3A_126 in 1 : vector<256x64xf32>, vector<256x192xf32> -> vector<256x256xf32>
      %add3A_128 = arith.addf %add3A_123, %concatenate3A_127 : vector<256x256xf32>
      %broadcast_in_dim3A_129 = arith.constant 0.000000e+00 : f32
      %broadcast_in_dim3A_130 = vector.broadcast %broadcast_in_dim3A_129 : f32 to vector<256x128xf32>
      %slice3A_131 = vector.extract_strided_slice %add3A_128 {offsets = [0, 0], sizes = [256, 128], strides = [1, 1]} : vector<256x256xf32> to vector<256x128xf32>
      %concatenate3A_132 = tpu.concatenate %broadcast_in_dim3A_130, %slice3A_131 in 1 : vector<256x128xf32>, vector<256x128xf32> -> vector<256x256xf32>
      %add3A_133 = arith.addf %add3A_128, %concatenate3A_132 : vector<256x256xf32>
      %swap3A_134 = arith.index_cast %arg0 : i32 to index
      %swap3A_135 = arith.constant 256 : index
      %swap3A_136 = arith.constant 0 : index
      %swap3A_137 = vector.load %arg6[%swap3A_134, %swap3A_135, %swap3A_136] : memref<8x2048x256xf32, #tpu.memory_space<vmem>>, vector<1x256x256xf32>
      %swap3A_138 = vector.shape_cast %swap3A_137 : vector<1x256x256xf32> to vector<256x256xf32>
      %swap3A_139 = vector.shape_cast %add3A_133 : vector<256x256xf32> to vector<1x256x256xf32>
      tpu.vector_store %arg6[%swap3A_134, %swap3A_135, %swap3A_136], %swap3A_139 {strides = array<i32>} : memref<8x2048x256xf32, #tpu.memory_space<vmem>>, vector<1x256x256xf32>,
      %get3A_140 = arith.constant 512 : index
      %get3A_141 = arith.constant 0 : index
      %get3A_142 = vector.load %arg3[%get3A_140, %get3A_141] : memref<2048x128xf32, #tpu.memory_space<vmem>>, vector<256x128xf32>
      %mul3A_143 = arith.mulf %get3A_142, %get3A_142 : vector<256x128xf32>
      %reduce_sum3A_144 = arith.constant dense<0.000000e+00> : vector<256xf32>
      %reduce_sum3A_145 = vector.multi_reduction <add>, %mul3A_143, %reduce_sum3A_144 [1] : vector<256x128xf32> to vector<256xf32>
      %broadcast_in_dim3A_146 = vector.shape_cast %reduce_sum3A_145 : vector<256xf32> to vector<256x1xf32>
      %dot_general3A_147 = arith.constant dense<0.000000e+00> : vector<256x256xf32>
      %dot_general3A_148 = tpu.matmul %get3A_142, %add3A, %dot_general3A_147 {dimension_numbers = #tpu.dot_dimension_numbers<[1], [1], [0], [0], [0, 0, 1, 0], [], []>, transpose_lhs_hint = false} : vector<256x128xf32>, vector<256x128xf32>, vector<256x256xf32> -> vector<256x256xf32>
      %broadcast_in_dim3A_149 = vector.shape_cast %reduce_sum3A_14 : vector<256xf32> to vector<1x256xf32>
      %add3A_150 = vector.broadcast %broadcast_in_dim3A_146 : vector<256x1xf32> to vector<256x256xf32>
      %add3A_151 = vector.broadcast %broadcast_in_dim3A_149 : vector<1x256xf32> to vector<256x256xf32>
      %add3A_152 = arith.addf %add3A_150, %add3A_151 : vector<256x256xf32>
      %mul3A_153 = arith.constant 2.000000e+00 : f32
      %mul3A_154 = vector.broadcast %mul3A_153 : f32 to vector<256x256xf32>
      %mul3A_155 = arith.mulf %mul3A_154, %dot_general3A_148 : vector<256x256xf32>
      %sub3A_156 = arith.subf %add3A_152, %mul3A_155 : vector<256x256xf32>
      %max3A_157 = arith.constant 0.000000e+00 : f32
      %max3A_158 = vector.broadcast %max3A_157 : f32 to vector<256x256xf32>
      %max3A_159 = arith.maximumf %sub3A_156, %max3A_158 : vector<256x256xf32>
      %broadcast_in_dim3A_160 = arith.constant 0.000000e+00 : f32
      %broadcast_in_dim3A_161 = vector.broadcast %broadcast_in_dim3A_160 : f32 to vector<256x1xf32>
      %slice3A_162 = vector.extract_strided_slice %max3A_159 {offsets = [0, 0], sizes = [256, 255], strides = [1, 1]} : vector<256x256xf32> to vector<256x255xf32>
      %concatenate3A_163 = tpu.concatenate %broadcast_in_dim3A_161, %slice3A_162 in 1 : vector<256x1xf32>, vector<256x255xf32> -> vector<256x256xf32>
      %add3A_164 = arith.addf %max3A_159, %concatenate3A_163 : vector<256x256xf32>
      %broadcast_in_dim3A_165 = arith.constant 0.000000e+00 : f32
      %broadcast_in_dim3A_166 = vector.broadcast %broadcast_in_dim3A_165 : f32 to vector<256x2xf32>
      %slice3A_167 = vector.extract_strided_slice %add3A_164 {offsets = [0, 0], sizes = [256, 254], strides = [1, 1]} : vector<256x256xf32> to vector<256x254xf32>
      %concatenate3A_168 = tpu.concatenate %broadcast_in_dim3A_166, %slice3A_167 in 1 : vector<256x2xf32>, vector<256x254xf32> -> vector<256x256xf32>
      %add3A_169 = arith.addf %add3A_164, %concatenate3A_168 : vector<256x256xf32>
      %broadcast_in_dim3A_170 = arith.constant 0.000000e+00 : f32
      %broadcast_in_dim3A_171 = vector.broadcast %broadcast_in_dim3A_170 : f32 to vector<256x4xf32>
      %slice3A_172 = vector.extract_strided_slice %add3A_169 {offsets = [0, 0], sizes = [256, 252], strides = [1, 1]} : vector<256x256xf32> to vector<256x252xf32>
      %concatenate3A_173 = tpu.concatenate %broadcast_in_dim3A_171, %slice3A_172 in 1 : vector<256x4xf32>, vector<256x252xf32> -> vector<256x256xf32>
      %add3A_174 = arith.addf %add3A_169, %concatenate3A_173 : vector<256x256xf32>
      %broadcast_in_dim3A_175 = arith.constant 0.000000e+00 : f32
      %broadcast_in_dim3A_176 = vector.broadcast %broadcast_in_dim3A_175 : f32 to vector<256x8xf32>
      %slice3A_177 = vector.extract_strided_slice %add3A_174 {offsets = [0, 0], sizes = [256, 248], strides = [1, 1]} : vector<256x256xf32> to vector<256x248xf32>
      %concatenate3A_178 = tpu.concatenate %broadcast_in_dim3A_176, %slice3A_177 in 1 : vector<256x8xf32>, vector<256x248xf32> -> vector<256x256xf32>
      %add3A_179 = arith.addf %add3A_174, %concatenate3A_178 : vector<256x256xf32>
      %broadcast_in_dim3A_180 = arith.constant 0.000000e+00 : f32
      %broadcast_in_dim3A_181 = vector.broadcast %broadcast_in_dim3A_180 : f32 to vector<256x16xf32>
      %slice3A_182 = vector.extract_strided_slice %add3A_179 {offsets = [0, 0], sizes = [256, 240], strides = [1, 1]} : vector<256x256xf32> to vector<256x240xf32>
      %concatenate3A_183 = tpu.concatenate %broadcast_in_dim3A_181, %slice3A_182 in 1 : vector<256x16xf32>, vector<256x240xf32> -> vector<256x256xf32>
      %add3A_184 = arith.addf %add3A_179, %concatenate3A_183 : vector<256x256xf32>
      %broadcast_in_dim3A_185 = arith.constant 0.000000e+00 : f32
      %broadcast_in_dim3A_186 = vector.broadcast %broadcast_in_dim3A_185 : f32 to vector<256x32xf32>
      %slice3A_187 = vector.extract_strided_slice %add3A_184 {offsets = [0, 0], sizes = [256, 224], strides = [1, 1]} : vector<256x256xf32> to vector<256x224xf32>
      %concatenate3A_188 = tpu.concatenate %broadcast_in_dim3A_186, %slice3A_187 in 1 : vector<256x32xf32>, vector<256x224xf32> -> vector<256x256xf32>
      %add3A_189 = arith.addf %add3A_184, %concatenate3A_188 : vector<256x256xf32>
      %broadcast_in_dim3A_190 = arith.constant 0.000000e+00 : f32
      %broadcast_in_dim3A_191 = vector.broadcast %broadcast_in_dim3A_190 : f32 to vector<256x64xf32>
      %slice3A_192 = vector.extract_strided_slice %add3A_189 {offsets = [0, 0], sizes = [256, 192], strides = [1, 1]} : vector<256x256xf32> to vector<256x192xf32>
      %concatenate3A_193 = tpu.concatenate %broadcast_in_dim3A_191, %slice3A_192 in 1 : vector<256x64xf32>, vector<256x192xf32> -> vector<256x256xf32>
      %add3A_194 = arith.addf %add3A_189, %concatenate3A_193 : vector<256x256xf32>
      %broadcast_in_dim3A_195 = arith.constant 0.000000e+00 : f32
      %broadcast_in_dim3A_196 = vector.broadcast %broadcast_in_dim3A_195 : f32 to vector<256x128xf32>
      %slice3A_197 = vector.extract_strided_slice %add3A_194 {offsets = [0, 0], sizes = [256, 128], strides = [1, 1]} : vector<256x256xf32> to vector<256x128xf32>
      %concatenate3A_198 = tpu.concatenate %broadcast_in_dim3A_196, %slice3A_197 in 1 : vector<256x128xf32>, vector<256x128xf32> -> vector<256x256xf32>
      %add3A_199 = arith.addf %add3A_194, %concatenate3A_198 : vector<256x256xf32>
      %swap3A_200 = arith.index_cast %arg0 : i32 to index
      %swap3A_201 = arith.constant 512 : index
      %swap3A_202 = arith.constant 0 : index
      %swap3A_203 = vector.load %arg6[%swap3A_200, %swap3A_201, %swap3A_202] : memref<8x2048x256xf32, #tpu.memory_space<vmem>>, vector<1x256x256xf32>
      %swap3A_204 = vector.shape_cast %swap3A_203 : vector<1x256x256xf32> to vector<256x256xf32>
      %swap3A_205 = vector.shape_cast %add3A_199 : vector<256x256xf32> to vector<1x256x256xf32>
      tpu.vector_store %arg6[%swap3A_200, %swap3A_201, %swap3A_202], %swap3A_205 {strides = array<i32>} : memref<8x2048x256xf32, #tpu.memory_space<vmem>>, vector<1x256x256xf32>,
      %get3A_206 = arith.constant 768 : index
      %get3A_207 = arith.constant 0 : index
      %get3A_208 = vector.load %arg3[%get3A_206, %get3A_207] : memref<2048x128xf32, #tpu.memory_space<vmem>>, vector<256x128xf32>
      %mul3A_209 = arith.mulf %get3A_208, %get3A_208 : vector<256x128xf32>
      %reduce_sum3A_210 = arith.constant dense<0.000000e+00> : vector<256xf32>
      %reduce_sum3A_211 = vector.multi_reduction <add>, %mul3A_209, %reduce_sum3A_210 [1] : vector<256x128xf32> to vector<256xf32>
      %broadcast_in_dim3A_212 = vector.shape_cast %reduce_sum3A_211 : vector<256xf32> to vector<256x1xf32>
      %dot_general3A_213 = arith.constant dense<0.000000e+00> : vector<256x256xf32>
      %dot_general3A_214 = tpu.matmul %get3A_208, %add3A, %dot_general3A_213 {dimension_numbers = #tpu.dot_dimension_numbers<[1], [1], [0], [0], [0, 0, 1, 0], [], []>, transpose_lhs_hint = false} : vector<256x128xf32>, vector<256x128xf32>, vector<256x256xf32> -> vector<256x256xf32>
      %broadcast_in_dim3A_215 = vector.shape_cast %reduce_sum3A_14 : vector<256xf32> to vector<1x256xf32>
      %add3A_216 = vector.broadcast %broadcast_in_dim3A_212 : vector<256x1xf32> to vector<256x256xf32>
      %add3A_217 = vector.broadcast %broadcast_in_dim3A_215 : vector<1x256xf32> to vector<256x256xf32>
      %add3A_218 = arith.addf %add3A_216, %add3A_217 : vector<256x256xf32>
      %mul3A_219 = arith.constant 2.000000e+00 : f32
      %mul3A_220 = vector.broadcast %mul3A_219 : f32 to vector<256x256xf32>
      %mul3A_221 = arith.mulf %mul3A_220, %dot_general3A_214 : vector<256x256xf32>
      %sub3A_222 = arith.subf %add3A_218, %mul3A_221 : vector<256x256xf32>
      %max3A_223 = arith.constant 0.000000e+00 : f32
      %max3A_224 = vector.broadcast %max3A_223 : f32 to vector<256x256xf32>
      %max3A_225 = arith.maximumf %sub3A_222, %max3A_224 : vector<256x256xf32>
      %broadcast_in_dim3A_226 = arith.constant 0.000000e+00 : f32
      %broadcast_in_dim3A_227 = vector.broadcast %broadcast_in_dim3A_226 : f32 to vector<256x1xf32>
      %slice3A_228 = vector.extract_strided_slice %max3A_225 {offsets = [0, 0], sizes = [256, 255], strides = [1, 1]} : vector<256x256xf32> to vector<256x255xf32>
      %concatenate3A_229 = tpu.concatenate %broadcast_in_dim3A_227, %slice3A_228 in 1 : vector<256x1xf32>, vector<256x255xf32> -> vector<256x256xf32>
      %add3A_230 = arith.addf %max3A_225, %concatenate3A_229 : vector<256x256xf32>
      %broadcast_in_dim3A_231 = arith.constant 0.000000e+00 : f32
      %broadcast_in_dim3A_232 = vector.broadcast %broadcast_in_dim3A_231 : f32 to vector<256x2xf32>
      %slice3A_233 = vector.extract_strided_slice %add3A_230 {offsets = [0, 0], sizes = [256, 254], strides = [1, 1]} : vector<256x256xf32> to vector<256x254xf32>
      %concatenate3A_234 = tpu.concatenate %broadcast_in_dim3A_232, %slice3A_233 in 1 : vector<256x2xf32>, vector<256x254xf32> -> vector<256x256xf32>
      %add3A_235 = arith.addf %add3A_230, %concatenate3A_234 : vector<256x256xf32>
      %broadcast_in_dim3A_236 = arith.constant 0.000000e+00 : f32
      %broadcast_in_dim3A_237 = vector.broadcast %broadcast_in_dim3A_236 : f32 to vector<256x4xf32>
      %slice3A_238 = vector.extract_strided_slice %add3A_235 {offsets = [0, 0], sizes = [256, 252], strides = [1, 1]} : vector<256x256xf32> to vector<256x252xf32>
      %concatenate3A_239 = tpu.concatenate %broadcast_in_dim3A_237, %slice3A_238 in 1 : vector<256x4xf32>, vector<256x252xf32> -> vector<256x256xf32>
      %add3A_240 = arith.addf %add3A_235, %concatenate3A_239 : vector<256x256xf32>
      %broadcast_in_dim3A_241 = arith.constant 0.000000e+00 : f32
      %broadcast_in_dim3A_242 = vector.broadcast %broadcast_in_dim3A_241 : f32 to vector<256x8xf32>
      %slice3A_243 = vector.extract_strided_slice %add3A_240 {offsets = [0, 0], sizes = [256, 248], strides = [1, 1]} : vector<256x256xf32> to vector<256x248xf32>
      %concatenate3A_244 = tpu.concatenate %broadcast_in_dim3A_242, %slice3A_243 in 1 : vector<256x8xf32>, vector<256x248xf32> -> vector<256x256xf32>
      %add3A_245 = arith.addf %add3A_240, %concatenate3A_244 : vector<256x256xf32>
      %broadcast_in_dim3A_246 = arith.constant 0.000000e+00 : f32
      %broadcast_in_dim3A_247 = vector.broadcast %broadcast_in_dim3A_246 : f32 to vector<256x16xf32>
      %slice3A_248 = vector.extract_strided_slice %add3A_245 {offsets = [0, 0], sizes = [256, 240], strides = [1, 1]} : vector<256x256xf32> to vector<256x240xf32>
      %concatenate3A_249 = tpu.concatenate %broadcast_in_dim3A_247, %slice3A_248 in 1 : vector<256x16xf32>, vector<256x240xf32> -> vector<256x256xf32>
      %add3A_250 = arith.addf %add3A_245, %concatenate3A_249 : vector<256x256xf32>
      %broadcast_in_dim3A_251 = arith.constant 0.000000e+00 : f32
      %broadcast_in_dim3A_252 = vector.broadcast %broadcast_in_dim3A_251 : f32 to vector<256x32xf32>
      %slice3A_253 = vector.extract_strided_slice %add3A_250 {offsets = [0, 0], sizes = [256, 224], strides = [1, 1]} : vector<256x256xf32> to vector<256x224xf32>
      %concatenate3A_254 = tpu.concatenate %broadcast_in_dim3A_252, %slice3A_253 in 1 : vector<256x32xf32>, vector<256x224xf32> -> vector<256x256xf32>
      %add3A_255 = arith.addf %add3A_250, %concatenate3A_254 : vector<256x256xf32>
      %broadcast_in_dim3A_256 = arith.constant 0.000000e+00 : f32
      %broadcast_in_dim3A_257 = vector.broadcast %broadcast_in_dim3A_256 : f32 to vector<256x64xf32>
      %slice3A_258 = vector.extract_strided_slice %add3A_255 {offsets = [0, 0], sizes = [256, 192], strides = [1, 1]} : vector<256x256xf32> to vector<256x192xf32>
      %concatenate3A_259 = tpu.concatenate %broadcast_in_dim3A_257, %slice3A_258 in 1 : vector<256x64xf32>, vector<256x192xf32> -> vector<256x256xf32>
      %add3A_260 = arith.addf %add3A_255, %concatenate3A_259 : vector<256x256xf32>
      %broadcast_in_dim3A_261 = arith.constant 0.000000e+00 : f32
      %broadcast_in_dim3A_262 = vector.broadcast %broadcast_in_dim3A_261 : f32 to vector<256x128xf32>
      %slice3A_263 = vector.extract_strided_slice %add3A_260 {offsets = [0, 0], sizes = [256, 128], strides = [1, 1]} : vector<256x256xf32> to vector<256x128xf32>
      %concatenate3A_264 = tpu.concatenate %broadcast_in_dim3A_262, %slice3A_263 in 1 : vector<256x128xf32>, vector<256x128xf32> -> vector<256x256xf32>
      %add3A_265 = arith.addf %add3A_260, %concatenate3A_264 : vector<256x256xf32>
      %swap3A_266 = arith.index_cast %arg0 : i32 to index
      %swap3A_267 = arith.constant 768 : index
      %swap3A_268 = arith.constant 0 : index
      %swap3A_269 = vector.load %arg6[%swap3A_266, %swap3A_267, %swap3A_268] : memref<8x2048x256xf32, #tpu.memory_space<vmem>>, vector<1x256x256xf32>
      %swap3A_270 = vector.shape_cast %swap3A_269 : vector<1x256x256xf32> to vector<256x256xf32>
      %swap3A_271 = vector.shape_cast %add3A_265 : vector<256x256xf32> to vector<1x256x256xf32>
      tpu.vector_store %arg6[%swap3A_266, %swap3A_267, %swap3A_268], %swap3A_271 {strides = array<i32>} : memref<8x2048x256xf32, #tpu.memory_space<vmem>>, vector<1x256x256xf32>,
      %get3A_272 = arith.constant 1024 : index
      %get3A_273 = arith.constant 0 : index
      %get3A_274 = vector.load %arg3[%get3A_272, %get3A_273] : memref<2048x128xf32, #tpu.memory_space<vmem>>, vector<256x128xf32>
      %mul3A_275 = arith.mulf %get3A_274, %get3A_274 : vector<256x128xf32>
      %reduce_sum3A_276 = arith.constant dense<0.000000e+00> : vector<256xf32>
      %reduce_sum3A_277 = vector.multi_reduction <add>, %mul3A_275, %reduce_sum3A_276 [1] : vector<256x128xf32> to vector<256xf32>
      %broadcast_in_dim3A_278 = vector.shape_cast %reduce_sum3A_277 : vector<256xf32> to vector<256x1xf32>
      %dot_general3A_279 = arith.constant dense<0.000000e+00> : vector<256x256xf32>
      %dot_general3A_280 = tpu.matmul %get3A_274, %add3A, %dot_general3A_279 {dimension_numbers = #tpu.dot_dimension_numbers<[1], [1], [0], [0], [0, 0, 1, 0], [], []>, transpose_lhs_hint = false} : vector<256x128xf32>, vector<256x128xf32>, vector<256x256xf32> -> vector<256x256xf32>
      %broadcast_in_dim3A_281 = vector.shape_cast %reduce_sum3A_14 : vector<256xf32> to vector<1x256xf32>
      %add3A_282 = vector.broadcast %broadcast_in_dim3A_278 : vector<256x1xf32> to vector<256x256xf32>
      %add3A_283 = vector.broadcast %broadcast_in_dim3A_281 : vector<1x256xf32> to vector<256x256xf32>
      %add3A_284 = arith.addf %add3A_282, %add3A_283 : vector<256x256xf32>
      %mul3A_285 = arith.constant 2.000000e+00 : f32
      %mul3A_286 = vector.broadcast %mul3A_285 : f32 to vector<256x256xf32>
      %mul3A_287 = arith.mulf %mul3A_286, %dot_general3A_280 : vector<256x256xf32>
      %sub3A_288 = arith.subf %add3A_284, %mul3A_287 : vector<256x256xf32>
      %max3A_289 = arith.constant 0.000000e+00 : f32
      %max3A_290 = vector.broadcast %max3A_289 : f32 to vector<256x256xf32>
      %max3A_291 = arith.maximumf %sub3A_288, %max3A_290 : vector<256x256xf32>
      %broadcast_in_dim3A_292 = arith.constant 0.000000e+00 : f32
      %broadcast_in_dim3A_293 = vector.broadcast %broadcast_in_dim3A_292 : f32 to vector<256x1xf32>
      %slice3A_294 = vector.extract_strided_slice %max3A_291 {offsets = [0, 0], sizes = [256, 255], strides = [1, 1]} : vector<256x256xf32> to vector<256x255xf32>
      %concatenate3A_295 = tpu.concatenate %broadcast_in_dim3A_293, %slice3A_294 in 1 : vector<256x1xf32>, vector<256x255xf32> -> vector<256x256xf32>
      %add3A_296 = arith.addf %max3A_291, %concatenate3A_295 : vector<256x256xf32>
      %broadcast_in_dim3A_297 = arith.constant 0.000000e+00 : f32
      %broadcast_in_dim3A_298 = vector.broadcast %broadcast_in_dim3A_297 : f32 to vector<256x2xf32>
      %slice3A_299 = vector.extract_strided_slice %add3A_296 {offsets = [0, 0], sizes = [256, 254], strides = [1, 1]} : vector<256x256xf32> to vector<256x254xf32>
      %concatenate3A_300 = tpu.concatenate %broadcast_in_dim3A_298, %slice3A_299 in 1 : vector<256x2xf32>, vector<256x254xf32> -> vector<256x256xf32>
      %add3A_301 = arith.addf %add3A_296, %concatenate3A_300 : vector<256x256xf32>
      %broadcast_in_dim3A_302 = arith.constant 0.000000e+00 : f32
      %broadcast_in_dim3A_303 = vector.broadcast %broadcast_in_dim3A_302 : f32 to vector<256x4xf32>
      %slice3A_304 = vector.extract_strided_slice %add3A_301 {offsets = [0, 0], sizes = [256, 252], strides = [1, 1]} : vector<256x256xf32> to vector<256x252xf32>
      %concatenate3A_305 = tpu.concatenate %broadcast_in_dim3A_303, %slice3A_304 in 1 : vector<256x4xf32>, vector<256x252xf32> -> vector<256x256xf32>
      %add3A_306 = arith.addf %add3A_301, %concatenate3A_305 : vector<256x256xf32>
      %broadcast_in_dim3A_307 = arith.constant 0.000000e+00 : f32
      %broadcast_in_dim3A_308 = vector.broadcast %broadcast_in_dim3A_307 : f32 to vector<256x8xf32>
      %slice3A_309 = vector.extract_strided_slice %add3A_306 {offsets = [0, 0], sizes = [256, 248], strides = [1, 1]} : vector<256x256xf32> to vector<256x248xf32>
      %concatenate3A_310 = tpu.concatenate %broadcast_in_dim3A_308, %slice3A_309 in 1 : vector<256x8xf32>, vector<256x248xf32> -> vector<256x256xf32>
      %add3A_311 = arith.addf %add3A_306, %concatenate3A_310 : vector<256x256xf32>
      %broadcast_in_dim3A_312 = arith.constant 0.000000e+00 : f32
      %broadcast_in_dim3A_313 = vector.broadcast %broadcast_in_dim3A_312 : f32 to vector<256x16xf32>
      %slice3A_314 = vector.extract_strided_slice %add3A_311 {offsets = [0, 0], sizes = [256, 240], strides = [1, 1]} : vector<256x256xf32> to vector<256x240xf32>
      %concatenate3A_315 = tpu.concatenate %broadcast_in_dim3A_313, %slice3A_314 in 1 : vector<256x16xf32>, vector<256x240xf32> -> vector<256x256xf32>
      %add3A_316 = arith.addf %add3A_311, %concatenate3A_315 : vector<256x256xf32>
      %broadcast_in_dim3A_317 = arith.constant 0.000000e+00 : f32
      %broadcast_in_dim3A_318 = vector.broadcast %broadcast_in_dim3A_317 : f32 to vector<256x32xf32>
      %slice3A_319 = vector.extract_strided_slice %add3A_316 {offsets = [0, 0], sizes = [256, 224], strides = [1, 1]} : vector<256x256xf32> to vector<256x224xf32>
      %concatenate3A_320 = tpu.concatenate %broadcast_in_dim3A_318, %slice3A_319 in 1 : vector<256x32xf32>, vector<256x224xf32> -> vector<256x256xf32>
      %add3A_321 = arith.addf %add3A_316, %concatenate3A_320 : vector<256x256xf32>
      %broadcast_in_dim3A_322 = arith.constant 0.000000e+00 : f32
      %broadcast_in_dim3A_323 = vector.broadcast %broadcast_in_dim3A_322 : f32 to vector<256x64xf32>
      %slice3A_324 = vector.extract_strided_slice %add3A_321 {offsets = [0, 0], sizes = [256, 192], strides = [1, 1]} : vector<256x256xf32> to vector<256x192xf32>
      %concatenate3A_325 = tpu.concatenate %broadcast_in_dim3A_323, %slice3A_324 in 1 : vector<256x64xf32>, vector<256x192xf32> -> vector<256x256xf32>
      %add3A_326 = arith.addf %add3A_321, %concatenate3A_325 : vector<256x256xf32>
      %broadcast_in_dim3A_327 = arith.constant 0.000000e+00 : f32
      %broadcast_in_dim3A_328 = vector.broadcast %broadcast_in_dim3A_327 : f32 to vector<256x128xf32>
      %slice3A_329 = vector.extract_strided_slice %add3A_326 {offsets = [0, 0], sizes = [256, 128], strides = [1, 1]} : vector<256x256xf32> to vector<256x128xf32>
      %concatenate3A_330 = tpu.concatenate %broadcast_in_dim3A_328, %slice3A_329 in 1 : vector<256x128xf32>, vector<256x128xf32> -> vector<256x256xf32>
      %add3A_331 = arith.addf %add3A_326, %concatenate3A_330 : vector<256x256xf32>
      %swap3A_332 = arith.index_cast %arg0 : i32 to index
      %swap3A_333 = arith.constant 1024 : index
      %swap3A_334 = arith.constant 0 : index
      %swap3A_335 = vector.load %arg6[%swap3A_332, %swap3A_333, %swap3A_334] : memref<8x2048x256xf32, #tpu.memory_space<vmem>>, vector<1x256x256xf32>
      %swap3A_336 = vector.shape_cast %swap3A_335 : vector<1x256x256xf32> to vector<256x256xf32>
      %swap3A_337 = vector.shape_cast %add3A_331 : vector<256x256xf32> to vector<1x256x256xf32>
      tpu.vector_store %arg6[%swap3A_332, %swap3A_333, %swap3A_334], %swap3A_337 {strides = array<i32>} : memref<8x2048x256xf32, #tpu.memory_space<vmem>>, vector<1x256x256xf32>,
      %get3A_338 = arith.constant 1280 : index
      %get3A_339 = arith.constant 0 : index
      %get3A_340 = vector.load %arg3[%get3A_338, %get3A_339] : memref<2048x128xf32, #tpu.memory_space<vmem>>, vector<256x128xf32>
      %mul3A_341 = arith.mulf %get3A_340, %get3A_340 : vector<256x128xf32>
      %reduce_sum3A_342 = arith.constant dense<0.000000e+00> : vector<256xf32>
      %reduce_sum3A_343 = vector.multi_reduction <add>, %mul3A_341, %reduce_sum3A_342 [1] : vector<256x128xf32> to vector<256xf32>
      %broadcast_in_dim3A_344 = vector.shape_cast %reduce_sum3A_343 : vector<256xf32> to vector<256x1xf32>
      %dot_general3A_345 = arith.constant dense<0.000000e+00> : vector<256x256xf32>
      %dot_general3A_346 = tpu.matmul %get3A_340, %add3A, %dot_general3A_345 {dimension_numbers = #tpu.dot_dimension_numbers<[1], [1], [0], [0], [0, 0, 1, 0], [], []>, transpose_lhs_hint = false} : vector<256x128xf32>, vector<256x128xf32>, vector<256x256xf32> -> vector<256x256xf32>
      %broadcast_in_dim3A_347 = vector.shape_cast %reduce_sum3A_14 : vector<256xf32> to vector<1x256xf32>
      %add3A_348 = vector.broadcast %broadcast_in_dim3A_344 : vector<256x1xf32> to vector<256x256xf32>
      %add3A_349 = vector.broadcast %broadcast_in_dim3A_347 : vector<1x256xf32> to vector<256x256xf32>
      %add3A_350 = arith.addf %add3A_348, %add3A_349 : vector<256x256xf32>
      %mul3A_351 = arith.constant 2.000000e+00 : f32
      %mul3A_352 = vector.broadcast %mul3A_351 : f32 to vector<256x256xf32>
      %mul3A_353 = arith.mulf %mul3A_352, %dot_general3A_346 : vector<256x256xf32>
      %sub3A_354 = arith.subf %add3A_350, %mul3A_353 : vector<256x256xf32>
      %max3A_355 = arith.constant 0.000000e+00 : f32
      %max3A_356 = vector.broadcast %max3A_355 : f32 to vector<256x256xf32>
      %max3A_357 = arith.maximumf %sub3A_354, %max3A_356 : vector<256x256xf32>
      %broadcast_in_dim3A_358 = arith.constant 0.000000e+00 : f32
      %broadcast_in_dim3A_359 = vector.broadcast %broadcast_in_dim3A_358 : f32 to vector<256x1xf32>
      %slice3A_360 = vector.extract_strided_slice %max3A_357 {offsets = [0, 0], sizes = [256, 255], strides = [1, 1]} : vector<256x256xf32> to vector<256x255xf32>
      %concatenate3A_361 = tpu.concatenate %broadcast_in_dim3A_359, %slice3A_360 in 1 : vector<256x1xf32>, vector<256x255xf32> -> vector<256x256xf32>
      %add3A_362 = arith.addf %max3A_357, %concatenate3A_361 : vector<256x256xf32>
      %broadcast_in_dim3A_363 = arith.constant 0.000000e+00 : f32
      %broadcast_in_dim3A_364 = vector.broadcast %broadcast_in_dim3A_363 : f32 to vector<256x2xf32>
      %slice3A_365 = vector.extract_strided_slice %add3A_362 {offsets = [0, 0], sizes = [256, 254], strides = [1, 1]} : vector<256x256xf32> to vector<256x254xf32>
      %concatenate3A_366 = tpu.concatenate %broadcast_in_dim3A_364, %slice3A_365 in 1 : vector<256x2xf32>, vector<256x254xf32> -> vector<256x256xf32>
      %add3A_367 = arith.addf %add3A_362, %concatenate3A_366 : vector<256x256xf32>
      %broadcast_in_dim3A_368 = arith.constant 0.000000e+00 : f32
      %broadcast_in_dim3A_369 = vector.broadcast %broadcast_in_dim3A_368 : f32 to vector<256x4xf32>
      %slice3A_370 = vector.extract_strided_slice %add3A_367 {offsets = [0, 0], sizes = [256, 252], strides = [1, 1]} : vector<256x256xf32> to vector<256x252xf32>
      %concatenate3A_371 = tpu.concatenate %broadcast_in_dim3A_369, %slice3A_370 in 1 : vector<256x4xf32>, vector<256x252xf32> -> vector<256x256xf32>
      %add3A_372 = arith.addf %add3A_367, %concatenate3A_371 : vector<256x256xf32>
      %broadcast_in_dim3A_373 = arith.constant 0.000000e+00 : f32
      %broadcast_in_dim3A_374 = vector.broadcast %broadcast_in_dim3A_373 : f32 to vector<256x8xf32>
      %slice3A_375 = vector.extract_strided_slice %add3A_372 {offsets = [0, 0], sizes = [256, 248], strides = [1, 1]} : vector<256x256xf32> to vector<256x248xf32>
      %concatenate3A_376 = tpu.concatenate %broadcast_in_dim3A_374, %slice3A_375 in 1 : vector<256x8xf32>, vector<256x248xf32> -> vector<256x256xf32>
      %add3A_377 = arith.addf %add3A_372, %concatenate3A_376 : vector<256x256xf32>
      %broadcast_in_dim3A_378 = arith.constant 0.000000e+00 : f32
      %broadcast_in_dim3A_379 = vector.broadcast %broadcast_in_dim3A_378 : f32 to vector<256x16xf32>
      %slice3A_380 = vector.extract_strided_slice %add3A_377 {offsets = [0, 0], sizes = [256, 240], strides = [1, 1]} : vector<256x256xf32> to vector<256x240xf32>
      %concatenate3A_381 = tpu.concatenate %broadcast_in_dim3A_379, %slice3A_380 in 1 : vector<256x16xf32>, vector<256x240xf32> -> vector<256x256xf32>
      %add3A_382 = arith.addf %add3A_377, %concatenate3A_381 : vector<256x256xf32>
      %broadcast_in_dim3A_383 = arith.constant 0.000000e+00 : f32
      %broadcast_in_dim3A_384 = vector.broadcast %broadcast_in_dim3A_383 : f32 to vector<256x32xf32>
      %slice3A_385 = vector.extract_strided_slice %add3A_382 {offsets = [0, 0], sizes = [256, 224], strides = [1, 1]} : vector<256x256xf32> to vector<256x224xf32>
      %concatenate3A_386 = tpu.concatenate %broadcast_in_dim3A_384, %slice3A_385 in 1 : vector<256x32xf32>, vector<256x224xf32> -> vector<256x256xf32>
      %add3A_387 = arith.addf %add3A_382, %concatenate3A_386 : vector<256x256xf32>
      %broadcast_in_dim3A_388 = arith.constant 0.000000e+00 : f32
      %broadcast_in_dim3A_389 = vector.broadcast %broadcast_in_dim3A_388 : f32 to vector<256x64xf32>
      %slice3A_390 = vector.extract_strided_slice %add3A_387 {offsets = [0, 0], sizes = [256, 192], strides = [1, 1]} : vector<256x256xf32> to vector<256x192xf32>
      %concatenate3A_391 = tpu.concatenate %broadcast_in_dim3A_389, %slice3A_390 in 1 : vector<256x64xf32>, vector<256x192xf32> -> vector<256x256xf32>
      %add3A_392 = arith.addf %add3A_387, %concatenate3A_391 : vector<256x256xf32>
      %broadcast_in_dim3A_393 = arith.constant 0.000000e+00 : f32
      %broadcast_in_dim3A_394 = vector.broadcast %broadcast_in_dim3A_393 : f32 to vector<256x128xf32>
      %slice3A_395 = vector.extract_strided_slice %add3A_392 {offsets = [0, 0], sizes = [256, 128], strides = [1, 1]} : vector<256x256xf32> to vector<256x128xf32>
      %concatenate3A_396 = tpu.concatenate %broadcast_in_dim3A_394, %slice3A_395 in 1 : vector<256x128xf32>, vector<256x128xf32> -> vector<256x256xf32>
      %add3A_397 = arith.addf %add3A_392, %concatenate3A_396 : vector<256x256xf32>
      %swap3A_398 = arith.index_cast %arg0 : i32 to index
      %swap3A_399 = arith.constant 1280 : index
      %swap3A_400 = arith.constant 0 : index
      %swap3A_401 = vector.load %arg6[%swap3A_398, %swap3A_399, %swap3A_400] : memref<8x2048x256xf32, #tpu.memory_space<vmem>>, vector<1x256x256xf32>
      %swap3A_402 = vector.shape_cast %swap3A_401 : vector<1x256x256xf32> to vector<256x256xf32>
      %swap3A_403 = vector.shape_cast %add3A_397 : vector<256x256xf32> to vector<1x256x256xf32>
      tpu.vector_store %arg6[%swap3A_398, %swap3A_399, %swap3A_400], %swap3A_403 {strides = array<i32>} : memref<8x2048x256xf32, #tpu.memory_space<vmem>>, vector<1x256x256xf32>,
      %get3A_404 = arith.constant 1536 : index
      %get3A_405 = arith.constant 0 : index
      %get3A_406 = vector.load %arg3[%get3A_404, %get3A_405] : memref<2048x128xf32, #tpu.memory_space<vmem>>, vector<256x128xf32>
      %mul3A_407 = arith.mulf %get3A_406, %get3A_406 : vector<256x128xf32>
      %reduce_sum3A_408 = arith.constant dense<0.000000e+00> : vector<256xf32>
      %reduce_sum3A_409 = vector.multi_reduction <add>, %mul3A_407, %reduce_sum3A_408 [1] : vector<256x128xf32> to vector<256xf32>
      %broadcast_in_dim3A_410 = vector.shape_cast %reduce_sum3A_409 : vector<256xf32> to vector<256x1xf32>
      %dot_general3A_411 = arith.constant dense<0.000000e+00> : vector<256x256xf32>
      %dot_general3A_412 = tpu.matmul %get3A_406, %add3A, %dot_general3A_411 {dimension_numbers = #tpu.dot_dimension_numbers<[1], [1], [0], [0], [0, 0, 1, 0], [], []>, transpose_lhs_hint = false} : vector<256x128xf32>, vector<256x128xf32>, vector<256x256xf32> -> vector<256x256xf32>
      %broadcast_in_dim3A_413 = vector.shape_cast %reduce_sum3A_14 : vector<256xf32> to vector<1x256xf32>
      %add3A_414 = vector.broadcast %broadcast_in_dim3A_410 : vector<256x1xf32> to vector<256x256xf32>
      %add3A_415 = vector.broadcast %broadcast_in_dim3A_413 : vector<1x256xf32> to vector<256x256xf32>
      %add3A_416 = arith.addf %add3A_414, %add3A_415 : vector<256x256xf32>
      %mul3A_417 = arith.constant 2.000000e+00 : f32
      %mul3A_418 = vector.broadcast %mul3A_417 : f32 to vector<256x256xf32>
      %mul3A_419 = arith.mulf %mul3A_418, %dot_general3A_412 : vector<256x256xf32>
      %sub3A_420 = arith.subf %add3A_416, %mul3A_419 : vector<256x256xf32>
      %max3A_421 = arith.constant 0.000000e+00 : f32
      %max3A_422 = vector.broadcast %max3A_421 : f32 to vector<256x256xf32>
      %max3A_423 = arith.maximumf %sub3A_420, %max3A_422 : vector<256x256xf32>
      %broadcast_in_dim3A_424 = arith.constant 0.000000e+00 : f32
      %broadcast_in_dim3A_425 = vector.broadcast %broadcast_in_dim3A_424 : f32 to vector<256x1xf32>
      %slice3A_426 = vector.extract_strided_slice %max3A_423 {offsets = [0, 0], sizes = [256, 255], strides = [1, 1]} : vector<256x256xf32> to vector<256x255xf32>
      %concatenate3A_427 = tpu.concatenate %broadcast_in_dim3A_425, %slice3A_426 in 1 : vector<256x1xf32>, vector<256x255xf32> -> vector<256x256xf32>
      %add3A_428 = arith.addf %max3A_423, %concatenate3A_427 : vector<256x256xf32>
      %broadcast_in_dim3A_429 = arith.constant 0.000000e+00 : f32
      %broadcast_in_dim3A_430 = vector.broadcast %broadcast_in_dim3A_429 : f32 to vector<256x2xf32>
      %slice3A_431 = vector.extract_strided_slice %add3A_428 {offsets = [0, 0], sizes = [256, 254], strides = [1, 1]} : vector<256x256xf32> to vector<256x254xf32>
      %concatenate3A_432 = tpu.concatenate %broadcast_in_dim3A_430, %slice3A_431 in 1 : vector<256x2xf32>, vector<256x254xf32> -> vector<256x256xf32>
      %add3A_433 = arith.addf %add3A_428, %concatenate3A_432 : vector<256x256xf32>
      %broadcast_in_dim3A_434 = arith.constant 0.000000e+00 : f32
      %broadcast_in_dim3A_435 = vector.broadcast %broadcast_in_dim3A_434 : f32 to vector<256x4xf32>
      %slice3A_436 = vector.extract_strided_slice %add3A_433 {offsets = [0, 0], sizes = [256, 252], strides = [1, 1]} : vector<256x256xf32> to vector<256x252xf32>
      %concatenate3A_437 = tpu.concatenate %broadcast_in_dim3A_435, %slice3A_436 in 1 : vector<256x4xf32>, vector<256x252xf32> -> vector<256x256xf32>
      %add3A_438 = arith.addf %add3A_433, %concatenate3A_437 : vector<256x256xf32>
      %broadcast_in_dim3A_439 = arith.constant 0.000000e+00 : f32
      %broadcast_in_dim3A_440 = vector.broadcast %broadcast_in_dim3A_439 : f32 to vector<256x8xf32>
      %slice3A_441 = vector.extract_strided_slice %add3A_438 {offsets = [0, 0], sizes = [256, 248], strides = [1, 1]} : vector<256x256xf32> to vector<256x248xf32>
      %concatenate3A_442 = tpu.concatenate %broadcast_in_dim3A_440, %slice3A_441 in 1 : vector<256x8xf32>, vector<256x248xf32> -> vector<256x256xf32>
      %add3A_443 = arith.addf %add3A_438, %concatenate3A_442 : vector<256x256xf32>
      %broadcast_in_dim3A_444 = arith.constant 0.000000e+00 : f32
      %broadcast_in_dim3A_445 = vector.broadcast %broadcast_in_dim3A_444 : f32 to vector<256x16xf32>
      %slice3A_446 = vector.extract_strided_slice %add3A_443 {offsets = [0, 0], sizes = [256, 240], strides = [1, 1]} : vector<256x256xf32> to vector<256x240xf32>
      %concatenate3A_447 = tpu.concatenate %broadcast_in_dim3A_445, %slice3A_446 in 1 : vector<256x16xf32>, vector<256x240xf32> -> vector<256x256xf32>
      %add3A_448 = arith.addf %add3A_443, %concatenate3A_447 : vector<256x256xf32>
      %broadcast_in_dim3A_449 = arith.constant 0.000000e+00 : f32
      %broadcast_in_dim3A_450 = vector.broadcast %broadcast_in_dim3A_449 : f32 to vector<256x32xf32>
      %slice3A_451 = vector.extract_strided_slice %add3A_448 {offsets = [0, 0], sizes = [256, 224], strides = [1, 1]} : vector<256x256xf32> to vector<256x224xf32>
      %concatenate3A_452 = tpu.concatenate %broadcast_in_dim3A_450, %slice3A_451 in 1 : vector<256x32xf32>, vector<256x224xf32> -> vector<256x256xf32>
      %add3A_453 = arith.addf %add3A_448, %concatenate3A_452 : vector<256x256xf32>
      %broadcast_in_dim3A_454 = arith.constant 0.000000e+00 : f32
      %broadcast_in_dim3A_455 = vector.broadcast %broadcast_in_dim3A_454 : f32 to vector<256x64xf32>
      %slice3A_456 = vector.extract_strided_slice %add3A_453 {offsets = [0, 0], sizes = [256, 192], strides = [1, 1]} : vector<256x256xf32> to vector<256x192xf32>
      %concatenate3A_457 = tpu.concatenate %broadcast_in_dim3A_455, %slice3A_456 in 1 : vector<256x64xf32>, vector<256x192xf32> -> vector<256x256xf32>
      %add3A_458 = arith.addf %add3A_453, %concatenate3A_457 : vector<256x256xf32>
      %broadcast_in_dim3A_459 = arith.constant 0.000000e+00 : f32
      %broadcast_in_dim3A_460 = vector.broadcast %broadcast_in_dim3A_459 : f32 to vector<256x128xf32>
      %slice3A_461 = vector.extract_strided_slice %add3A_458 {offsets = [0, 0], sizes = [256, 128], strides = [1, 1]} : vector<256x256xf32> to vector<256x128xf32>
      %concatenate3A_462 = tpu.concatenate %broadcast_in_dim3A_460, %slice3A_461 in 1 : vector<256x128xf32>, vector<256x128xf32> -> vector<256x256xf32>
      %add3A_463 = arith.addf %add3A_458, %concatenate3A_462 : vector<256x256xf32>
      %swap3A_464 = arith.index_cast %arg0 : i32 to index
      %swap3A_465 = arith.constant 1536 : index
      %swap3A_466 = arith.constant 0 : index
      %swap3A_467 = vector.load %arg6[%swap3A_464, %swap3A_465, %swap3A_466] : memref<8x2048x256xf32, #tpu.memory_space<vmem>>, vector<1x256x256xf32>
      %swap3A_468 = vector.shape_cast %swap3A_467 : vector<1x256x256xf32> to vector<256x256xf32>
      %swap3A_469 = vector.shape_cast %add3A_463 : vector<256x256xf32> to vector<1x256x256xf32>
      tpu.vector_store %arg6[%swap3A_464, %swap3A_465, %swap3A_466], %swap3A_469 {strides = array<i32>} : memref<8x2048x256xf32, #tpu.memory_space<vmem>>, vector<1x256x256xf32>,
      %get3A_470 = arith.constant 1792 : index
      %get3A_471 = arith.constant 0 : index
      %get3A_472 = vector.load %arg3[%get3A_470, %get3A_471] : memref<2048x128xf32, #tpu.memory_space<vmem>>, vector<256x128xf32>
      %mul3A_473 = arith.mulf %get3A_472, %get3A_472 : vector<256x128xf32>
      %reduce_sum3A_474 = arith.constant dense<0.000000e+00> : vector<256xf32>
      %reduce_sum3A_475 = vector.multi_reduction <add>, %mul3A_473, %reduce_sum3A_474 [1] : vector<256x128xf32> to vector<256xf32>
      %broadcast_in_dim3A_476 = vector.shape_cast %reduce_sum3A_475 : vector<256xf32> to vector<256x1xf32>
      %dot_general3A_477 = arith.constant dense<0.000000e+00> : vector<256x256xf32>
      %dot_general3A_478 = tpu.matmul %get3A_472, %add3A, %dot_general3A_477 {dimension_numbers = #tpu.dot_dimension_numbers<[1], [1], [0], [0], [0, 0, 1, 0], [], []>, transpose_lhs_hint = false} : vector<256x128xf32>, vector<256x128xf32>, vector<256x256xf32> -> vector<256x256xf32>
      %broadcast_in_dim3A_479 = vector.shape_cast %reduce_sum3A_14 : vector<256xf32> to vector<1x256xf32>
      %add3A_480 = vector.broadcast %broadcast_in_dim3A_476 : vector<256x1xf32> to vector<256x256xf32>
      %add3A_481 = vector.broadcast %broadcast_in_dim3A_479 : vector<1x256xf32> to vector<256x256xf32>
      %add3A_482 = arith.addf %add3A_480, %add3A_481 : vector<256x256xf32>
      %mul3A_483 = arith.constant 2.000000e+00 : f32
      %mul3A_484 = vector.broadcast %mul3A_483 : f32 to vector<256x256xf32>
      %mul3A_485 = arith.mulf %mul3A_484, %dot_general3A_478 : vector<256x256xf32>
      %sub3A_486 = arith.subf %add3A_482, %mul3A_485 : vector<256x256xf32>
      %max3A_487 = arith.constant 0.000000e+00 : f32
      %max3A_488 = vector.broadcast %max3A_487 : f32 to vector<256x256xf32>
      %max3A_489 = arith.maximumf %sub3A_486, %max3A_488 : vector<256x256xf32>
      %broadcast_in_dim3A_490 = arith.constant 0.000000e+00 : f32
      %broadcast_in_dim3A_491 = vector.broadcast %broadcast_in_dim3A_490 : f32 to vector<256x1xf32>
      %slice3A_492 = vector.extract_strided_slice %max3A_489 {offsets = [0, 0], sizes = [256, 255], strides = [1, 1]} : vector<256x256xf32> to vector<256x255xf32>
      %concatenate3A_493 = tpu.concatenate %broadcast_in_dim3A_491, %slice3A_492 in 1 : vector<256x1xf32>, vector<256x255xf32> -> vector<256x256xf32>
      %add3A_494 = arith.addf %max3A_489, %concatenate3A_493 : vector<256x256xf32>
      %broadcast_in_dim3A_495 = arith.constant 0.000000e+00 : f32
      %broadcast_in_dim3A_496 = vector.broadcast %broadcast_in_dim3A_495 : f32 to vector<256x2xf32>
      %slice3A_497 = vector.extract_strided_slice %add3A_494 {offsets = [0, 0], sizes = [256, 254], strides = [1, 1]} : vector<256x256xf32> to vector<256x254xf32>
      %concatenate3A_498 = tpu.concatenate %broadcast_in_dim3A_496, %slice3A_497 in 1 : vector<256x2xf32>, vector<256x254xf32> -> vector<256x256xf32>
      %add3A_499 = arith.addf %add3A_494, %concatenate3A_498 : vector<256x256xf32>
      %broadcast_in_dim3A_500 = arith.constant 0.000000e+00 : f32
      %broadcast_in_dim3A_501 = vector.broadcast %broadcast_in_dim3A_500 : f32 to vector<256x4xf32>
      %slice3A_502 = vector.extract_strided_slice %add3A_499 {offsets = [0, 0], sizes = [256, 252], strides = [1, 1]} : vector<256x256xf32> to vector<256x252xf32>
      %concatenate3A_503 = tpu.concatenate %broadcast_in_dim3A_501, %slice3A_502 in 1 : vector<256x4xf32>, vector<256x252xf32> -> vector<256x256xf32>
      %add3A_504 = arith.addf %add3A_499, %concatenate3A_503 : vector<256x256xf32>
      %broadcast_in_dim3A_505 = arith.constant 0.000000e+00 : f32
      %broadcast_in_dim3A_506 = vector.broadcast %broadcast_in_dim3A_505 : f32 to vector<256x8xf32>
      %slice3A_507 = vector.extract_strided_slice %add3A_504 {offsets = [0, 0], sizes = [256, 248], strides = [1, 1]} : vector<256x256xf32> to vector<256x248xf32>
      %concatenate3A_508 = tpu.concatenate %broadcast_in_dim3A_506, %slice3A_507 in 1 : vector<256x8xf32>, vector<256x248xf32> -> vector<256x256xf32>
      %add3A_509 = arith.addf %add3A_504, %concatenate3A_508 : vector<256x256xf32>
      %broadcast_in_dim3A_510 = arith.constant 0.000000e+00 : f32
      %broadcast_in_dim3A_511 = vector.broadcast %broadcast_in_dim3A_510 : f32 to vector<256x16xf32>
      %slice3A_512 = vector.extract_strided_slice %add3A_509 {offsets = [0, 0], sizes = [256, 240], strides = [1, 1]} : vector<256x256xf32> to vector<256x240xf32>
      %concatenate3A_513 = tpu.concatenate %broadcast_in_dim3A_511, %slice3A_512 in 1 : vector<256x16xf32>, vector<256x240xf32> -> vector<256x256xf32>
      %add3A_514 = arith.addf %add3A_509, %concatenate3A_513 : vector<256x256xf32>
      %broadcast_in_dim3A_515 = arith.constant 0.000000e+00 : f32
      %broadcast_in_dim3A_516 = vector.broadcast %broadcast_in_dim3A_515 : f32 to vector<256x32xf32>
      %slice3A_517 = vector.extract_strided_slice %add3A_514 {offsets = [0, 0], sizes = [256, 224], strides = [1, 1]} : vector<256x256xf32> to vector<256x224xf32>
      %concatenate3A_518 = tpu.concatenate %broadcast_in_dim3A_516, %slice3A_517 in 1 : vector<256x32xf32>, vector<256x224xf32> -> vector<256x256xf32>
      %add3A_519 = arith.addf %add3A_514, %concatenate3A_518 : vector<256x256xf32>
      %broadcast_in_dim3A_520 = arith.constant 0.000000e+00 : f32
      %broadcast_in_dim3A_521 = vector.broadcast %broadcast_in_dim3A_520 : f32 to vector<256x64xf32>
      %slice3A_522 = vector.extract_strided_slice %add3A_519 {offsets = [0, 0], sizes = [256, 192], strides = [1, 1]} : vector<256x256xf32> to vector<256x192xf32>
      %concatenate3A_523 = tpu.concatenate %broadcast_in_dim3A_521, %slice3A_522 in 1 : vector<256x64xf32>, vector<256x192xf32> -> vector<256x256xf32>
      %add3A_524 = arith.addf %add3A_519, %concatenate3A_523 : vector<256x256xf32>
      %broadcast_in_dim3A_525 = arith.constant 0.000000e+00 : f32
      %broadcast_in_dim3A_526 = vector.broadcast %broadcast_in_dim3A_525 : f32 to vector<256x128xf32>
      %slice3A_527 = vector.extract_strided_slice %add3A_524 {offsets = [0, 0], sizes = [256, 128], strides = [1, 1]} : vector<256x256xf32> to vector<256x128xf32>
      %concatenate3A_528 = tpu.concatenate %broadcast_in_dim3A_526, %slice3A_527 in 1 : vector<256x128xf32>, vector<256x128xf32> -> vector<256x256xf32>
      %add3A_529 = arith.addf %add3A_524, %concatenate3A_528 : vector<256x256xf32>
      %swap3A_530 = arith.index_cast %arg0 : i32 to index
      %swap3A_531 = arith.constant 1792 : index
      %swap3A_532 = arith.constant 0 : index
      %swap3A_533 = vector.load %arg6[%swap3A_530, %swap3A_531, %swap3A_532] : memref<8x2048x256xf32, #tpu.memory_space<vmem>>, vector<1x256x256xf32>
      %swap3A_534 = vector.shape_cast %swap3A_533 : vector<1x256x256xf32> to vector<256x256xf32>
      %swap3A_535 = vector.shape_cast %add3A_529 : vector<256x256xf32> to vector<1x256x256xf32>
      tpu.vector_store %arg6[%swap3A_530, %swap3A_531, %swap3A_532], %swap3A_535 {strides = array<i32>} : memref<8x2048x256xf32, #tpu.memory_space<vmem>>, vector<1x256x256xf32>,
    } else {
    }
    %eq3A = arith.constant 8 : i32
    %eq3A_2 = arith.cmpi eq, %arg0, %eq3A : i32
    %convert_element_type3A_3 = arith.extui %eq3A_2 : i1 to i32
    %cond3A_4 = arith.constant 0x7F800000 : f32
    %cond3A_5 = arith.constant 0 : i32
    %cond3A_6 = arith.cmpi ne, %convert_element_type3A_3, %cond3A_5 : i32
    scf.if %cond3A_6 {
      %broadcast_in_dim3A = vector.broadcast %cond3A_4 : f32 to vector<64x256xf32>
      %scan3A = arith.constant 0 : i32
      %scan3A_7 = arith.constant 128 : i32
      %scan3A_8 = arith.addi %scan3A, %scan3A_7 : i32
      %scan3A_9 = arith.constant 1 : i32
      %scan3A_10 = scf.for %scan3A_26 = %scan3A to %scan3A_8 step %scan3A_9 iter_args(%scan3A_27 = %broadcast_in_dim3A) -> (vector<64x256xf32>)  : i32 {
        %mul3A = arith.constant 2 : i32
        %mul3A_28 = arith.muli %scan3A_26, %mul3A : i32
        %add3A = arith.constant 1 : i32
        %add3A_29 = arith.addi %mul3A_28, %add3A : i32
        %mul3A_30 = arith.constant 2 : i32
        %mul3A_31 = arith.muli %scan3A_26, %mul3A_30 : i32
        %mul3A_32 = arith.constant 8 : i32
        %mul3A_33 = arith.muli %mul3A_31, %mul3A_32 : i32
        %get3A = arith.constant 0 : index
        %get3A_34 = arith.index_cast %mul3A_33 : i32 to index
        %get3A_35 = arith.constant 0 : index
        %get3A_36 = vector.load %arg6[%get3A, %get3A_34, %get3A_35] : memref<8x2048x256xf32, #tpu.memory_space<vmem>>, vector<1x8x256xf32>
        %get3A_37 = vector.shape_cast %get3A_36 : vector<1x8x256xf32> to vector<8x256xf32>
        %mul3A_38 = arith.constant 8 : i32
        %mul3A_39 = arith.muli %mul3A_31, %mul3A_38 : i32
        %get3A_40 = arith.constant 1 : index
        %get3A_41 = arith.index_cast %mul3A_39 : i32 to index
        %get3A_42 = arith.constant 0 : index
        %get3A_43 = vector.load %arg6[%get3A_40, %get3A_41, %get3A_42] : memref<8x2048x256xf32, #tpu.memory_space<vmem>>, vector<1x8x256xf32>
        %get3A_44 = vector.shape_cast %get3A_43 : vector<1x8x256xf32> to vector<8x256xf32>
        %mul3A_45 = arith.constant 8 : i32
        %mul3A_46 = arith.muli %mul3A_31, %mul3A_45 : i32
        %get3A_47 = arith.constant 2 : index
        %get3A_48 = arith.index_cast %mul3A_46 : i32 to index
        %get3A_49 = arith.constant 0 : index
        %get3A_50 = vector.load %arg6[%get3A_47, %get3A_48, %get3A_49] : memref<8x2048x256xf32, #tpu.memory_space<vmem>>, vector<1x8x256xf32>
        %get3A_51 = vector.shape_cast %get3A_50 : vector<1x8x256xf32> to vector<8x256xf32>
        %mul3A_52 = arith.constant 8 : i32
        %mul3A_53 = arith.muli %mul3A_31, %mul3A_52 : i32
        %get3A_54 = arith.constant 3 : index
        %get3A_55 = arith.index_cast %mul3A_53 : i32 to index
        %get3A_56 = arith.constant 0 : index
        %get3A_57 = vector.load %arg6[%get3A_54, %get3A_55, %get3A_56] : memref<8x2048x256xf32, #tpu.memory_space<vmem>>, vector<1x8x256xf32>
        %get3A_58 = vector.shape_cast %get3A_57 : vector<1x8x256xf32> to vector<8x256xf32>
        %mul3A_59 = arith.constant 8 : i32
        %mul3A_60 = arith.muli %mul3A_31, %mul3A_59 : i32
        %get3A_61 = arith.constant 4 : index
        %get3A_62 = arith.index_cast %mul3A_60 : i32 to index
        %get3A_63 = arith.constant 0 : index
        %get3A_64 = vector.load %arg6[%get3A_61, %get3A_62, %get3A_63] : memref<8x2048x256xf32, #tpu.memory_space<vmem>>, vector<1x8x256xf32>
        %get3A_65 = vector.shape_cast %get3A_64 : vector<1x8x256xf32> to vector<8x256xf32>
        %mul3A_66 = arith.constant 8 : i32
        %mul3A_67 = arith.muli %mul3A_31, %mul3A_66 : i32
        %get3A_68 = arith.constant 5 : index
        %get3A_69 = arith.index_cast %mul3A_67 : i32 to index
        %get3A_70 = arith.constant 0 : index
        %get3A_71 = vector.load %arg6[%get3A_68, %get3A_69, %get3A_70] : memref<8x2048x256xf32, #tpu.memory_space<vmem>>, vector<1x8x256xf32>
        %get3A_72 = vector.shape_cast %get3A_71 : vector<1x8x256xf32> to vector<8x256xf32>
        %mul3A_73 = arith.constant 8 : i32
        %mul3A_74 = arith.muli %mul3A_31, %mul3A_73 : i32
        %get3A_75 = arith.constant 6 : index
        %get3A_76 = arith.index_cast %mul3A_74 : i32 to index
        %get3A_77 = arith.constant 0 : index
        %get3A_78 = vector.load %arg6[%get3A_75, %get3A_76, %get3A_77] : memref<8x2048x256xf32, #tpu.memory_space<vmem>>, vector<1x8x256xf32>
        %get3A_79 = vector.shape_cast %get3A_78 : vector<1x8x256xf32> to vector<8x256xf32>
        %mul3A_80 = arith.constant 8 : i32
        %mul3A_81 = arith.muli %mul3A_31, %mul3A_80 : i32
        %get3A_82 = arith.constant 7 : index
        %get3A_83 = arith.index_cast %mul3A_81 : i32 to index
        %get3A_84 = arith.constant 0 : index
        %get3A_85 = vector.load %arg6[%get3A_82, %get3A_83, %get3A_84] : memref<8x2048x256xf32, #tpu.memory_space<vmem>>, vector<1x8x256xf32>
        %get3A_86 = vector.shape_cast %get3A_85 : vector<1x8x256xf32> to vector<8x256xf32>
        %concatenate3A = tpu.concatenate %get3A_37, %get3A_44, %get3A_51, %get3A_58, %get3A_65, %get3A_72, %get3A_79, %get3A_86 in 0 : vector<8x256xf32>, vector<8x256xf32>, vector<8x256xf32>, vector<8x256xf32>, vector<8x256xf32>, vector<8x256xf32>, vector<8x256xf32>, vector<8x256xf32> -> vector<64x256xf32>
        %eq3A_87 = arith.constant 0 : i32
        %eq3A_88 = arith.cmpi eq, %mul3A_31, %eq3A_87 : i32
        %jit3A_89 = arith.constant 0.000000e+00 : f32
        %select_n3A_90 = arith.select %eq3A_88, %jit3A_89, %cond3A_4 : f32
        %broadcast_in_dim3A_91 = vector.broadcast %select_n3A_90 : f32 to vector<64x1xf32>
        %slice3A_92 = vector.extract_strided_slice %scan3A_27 {offsets = [0, 0], sizes = [64, 255], strides = [1, 1]} : vector<64x256xf32> to vector<64x255xf32>
        %concatenate3A_93 = tpu.concatenate %broadcast_in_dim3A_91, %slice3A_92 in 1 : vector<64x1xf32>, vector<64x255xf32> -> vector<64x256xf32>
        %min3A = arith.minimumf %scan3A_27, %concatenate3A_93 : vector<64x256xf32>
        %broadcast_in_dim3A_94 = arith.constant 0.000000e+00 : f32
        %broadcast_in_dim3A_95 = vector.broadcast %broadcast_in_dim3A_94 : f32 to vector<64x1xf32>
        %slice3A_96 = vector.extract_strided_slice %concatenate3A {offsets = [0, 0], sizes = [64, 255], strides = [1, 1]} : vector<64x256xf32> to vector<64x255xf32>
        %concatenate3A_97 = tpu.concatenate %broadcast_in_dim3A_95, %slice3A_96 in 1 : vector<64x1xf32>, vector<64x255xf32> -> vector<64x256xf32>
        %sub3A = arith.subf %min3A, %concatenate3A_97 : vector<64x256xf32>
        %broadcast_in_dim3A_98 = vector.broadcast %cond3A_4 : f32 to vector<64x1xf32>
        %slice3A_99 = vector.extract_strided_slice %sub3A {offsets = [0, 0], sizes = [64, 255], strides = [1, 1]} : vector<64x256xf32> to vector<64x255xf32>
        %concatenate3A_100 = tpu.concatenate %broadcast_in_dim3A_98, %slice3A_99 in 1 : vector<64x1xf32>, vector<64x255xf32> -> vector<64x256xf32>
        %min3A_101 = arith.minimumf %sub3A, %concatenate3A_100 : vector<64x256xf32>
        %broadcast_in_dim3A_102 = vector.broadcast %cond3A_4 : f32 to vector<64x2xf32>
        %slice3A_103 = vector.extract_strided_slice %min3A_101 {offsets = [0, 0], sizes = [64, 254], strides = [1, 1]} : vector<64x256xf32> to vector<64x254xf32>
        %concatenate3A_104 = tpu.concatenate %broadcast_in_dim3A_102, %slice3A_103 in 1 : vector<64x2xf32>, vector<64x254xf32> -> vector<64x256xf32>
        %min3A_105 = arith.minimumf %min3A_101, %concatenate3A_104 : vector<64x256xf32>
        %broadcast_in_dim3A_106 = vector.broadcast %cond3A_4 : f32 to vector<64x4xf32>
        %slice3A_107 = vector.extract_strided_slice %min3A_105 {offsets = [0, 0], sizes = [64, 252], strides = [1, 1]} : vector<64x256xf32> to vector<64x252xf32>
        %concatenate3A_108 = tpu.concatenate %broadcast_in_dim3A_106, %slice3A_107 in 1 : vector<64x4xf32>, vector<64x252xf32> -> vector<64x256xf32>
        %min3A_109 = arith.minimumf %min3A_105, %concatenate3A_108 : vector<64x256xf32>
        %broadcast_in_dim3A_110 = vector.broadcast %cond3A_4 : f32 to vector<64x8xf32>
        %slice3A_111 = vector.extract_strided_slice %min3A_109 {offsets = [0, 0], sizes = [64, 248], strides = [1, 1]} : vector<64x256xf32> to vector<64x248xf32>
        %concatenate3A_112 = tpu.concatenate %broadcast_in_dim3A_110, %slice3A_111 in 1 : vector<64x8xf32>, vector<64x248xf32> -> vector<64x256xf32>
        %min3A_113 = arith.minimumf %min3A_109, %concatenate3A_112 : vector<64x256xf32>
        %broadcast_in_dim3A_114 = vector.broadcast %cond3A_4 : f32 to vector<64x16xf32>
        %slice3A_115 = vector.extract_strided_slice %min3A_113 {offsets = [0, 0], sizes = [64, 240], strides = [1, 1]} : vector<64x256xf32> to vector<64x240xf32>
        %concatenate3A_116 = tpu.concatenate %broadcast_in_dim3A_114, %slice3A_115 in 1 : vector<64x16xf32>, vector<64x240xf32> -> vector<64x256xf32>
        %min3A_117 = arith.minimumf %min3A_113, %concatenate3A_116 : vector<64x256xf32>
        %broadcast_in_dim3A_118 = vector.broadcast %cond3A_4 : f32 to vector<64x32xf32>
        %slice3A_119 = vector.extract_strided_slice %min3A_117 {offsets = [0, 0], sizes = [64, 224], strides = [1, 1]} : vector<64x256xf32> to vector<64x224xf32>
        %concatenate3A_120 = tpu.concatenate %broadcast_in_dim3A_118, %slice3A_119 in 1 : vector<64x32xf32>, vector<64x224xf32> -> vector<64x256xf32>
        %min3A_121 = arith.minimumf %min3A_117, %concatenate3A_120 : vector<64x256xf32>
        %broadcast_in_dim3A_122 = vector.broadcast %cond3A_4 : f32 to vector<64x64xf32>
        %slice3A_123 = vector.extract_strided_slice %min3A_121 {offsets = [0, 0], sizes = [64, 192], strides = [1, 1]} : vector<64x256xf32> to vector<64x192xf32>
        %concatenate3A_124 = tpu.concatenate %broadcast_in_dim3A_122, %slice3A_123 in 1 : vector<64x64xf32>, vector<64x192xf32> -> vector<64x256xf32>
        %min3A_125 = arith.minimumf %min3A_121, %concatenate3A_124 : vector<64x256xf32>
        %broadcast_in_dim3A_126 = vector.broadcast %cond3A_4 : f32 to vector<64x128xf32>
        %slice3A_127 = vector.extract_strided_slice %min3A_125 {offsets = [0, 0], sizes = [64, 128], strides = [1, 1]} : vector<64x256xf32> to vector<64x128xf32>
        %concatenate3A_128 = tpu.concatenate %broadcast_in_dim3A_126, %slice3A_127 in 1 : vector<64x128xf32>, vector<64x128xf32> -> vector<64x256xf32>
        %min3A_129 = arith.minimumf %min3A_125, %concatenate3A_128 : vector<64x256xf32>
        %add3A_130 = arith.addf %concatenate3A, %min3A_129 : vector<64x256xf32>
        %mul3A_131 = arith.constant 64 : i32
        %mul3A_132 = arith.muli %mul3A_31, %mul3A_131 : i32
        %swap3A_133 = arith.index_cast %mul3A_132 : i32 to index
        %swap3A_134 = arith.constant 0 : index
        %swap3A_135 = vector.load %arg4[%swap3A_133, %swap3A_134] : memref<16384x256xf32, #tpu.memory_space<vmem>>, vector<64x256xf32>
        tpu.vector_store %arg4[%swap3A_133, %swap3A_134], %add3A_130 {strides = array<i32>} : memref<16384x256xf32, #tpu.memory_space<vmem>>, vector<64x256xf32>,
        %mul3A_136 = arith.constant 8 : i32
        %mul3A_137 = arith.muli %add3A_29, %mul3A_136 : i32
        %get3A_138 = arith.constant 0 : index
        %get3A_139 = arith.index_cast %mul3A_137 : i32 to index
        %get3A_140 = arith.constant 0 : index
        %get3A_141 = vector.load %arg6[%get3A_138, %get3A_139, %get3A_140] : memref<8x2048x256xf32, #tpu.memory_space<vmem>>, vector<1x8x256xf32>
        %get3A_142 = vector.shape_cast %get3A_141 : vector<1x8x256xf32> to vector<8x256xf32>
        %mul3A_143 = arith.constant 8 : i32
        %mul3A_144 = arith.muli %add3A_29, %mul3A_143 : i32
        %get3A_145 = arith.constant 1 : index
        %get3A_146 = arith.index_cast %mul3A_144 : i32 to index
        %get3A_147 = arith.constant 0 : index
        %get3A_148 = vector.load %arg6[%get3A_145, %get3A_146, %get3A_147] : memref<8x2048x256xf32, #tpu.memory_space<vmem>>, vector<1x8x256xf32>
        %get3A_149 = vector.shape_cast %get3A_148 : vector<1x8x256xf32> to vector<8x256xf32>
        %mul3A_150 = arith.constant 8 : i32
        %mul3A_151 = arith.muli %add3A_29, %mul3A_150 : i32
        %get3A_152 = arith.constant 2 : index
        %get3A_153 = arith.index_cast %mul3A_151 : i32 to index
        %get3A_154 = arith.constant 0 : index
        %get3A_155 = vector.load %arg6[%get3A_152, %get3A_153, %get3A_154] : memref<8x2048x256xf32, #tpu.memory_space<vmem>>, vector<1x8x256xf32>
        %get3A_156 = vector.shape_cast %get3A_155 : vector<1x8x256xf32> to vector<8x256xf32>
        %mul3A_157 = arith.constant 8 : i32
        %mul3A_158 = arith.muli %add3A_29, %mul3A_157 : i32
        %get3A_159 = arith.constant 3 : index
        %get3A_160 = arith.index_cast %mul3A_158 : i32 to index
        %get3A_161 = arith.constant 0 : index
        %get3A_162 = vector.load %arg6[%get3A_159, %get3A_160, %get3A_161] : memref<8x2048x256xf32, #tpu.memory_space<vmem>>, vector<1x8x256xf32>
        %get3A_163 = vector.shape_cast %get3A_162 : vector<1x8x256xf32> to vector<8x256xf32>
        %mul3A_164 = arith.constant 8 : i32
        %mul3A_165 = arith.muli %add3A_29, %mul3A_164 : i32
        %get3A_166 = arith.constant 4 : index
        %get3A_167 = arith.index_cast %mul3A_165 : i32 to index
        %get3A_168 = arith.constant 0 : index
        %get3A_169 = vector.load %arg6[%get3A_166, %get3A_167, %get3A_168] : memref<8x2048x256xf32, #tpu.memory_space<vmem>>, vector<1x8x256xf32>
        %get3A_170 = vector.shape_cast %get3A_169 : vector<1x8x256xf32> to vector<8x256xf32>
        %mul3A_171 = arith.constant 8 : i32
        %mul3A_172 = arith.muli %add3A_29, %mul3A_171 : i32
        %get3A_173 = arith.constant 5 : index
        %get3A_174 = arith.index_cast %mul3A_172 : i32 to index
        %get3A_175 = arith.constant 0 : index
        %get3A_176 = vector.load %arg6[%get3A_173, %get3A_174, %get3A_175] : memref<8x2048x256xf32, #tpu.memory_space<vmem>>, vector<1x8x256xf32>
        %get3A_177 = vector.shape_cast %get3A_176 : vector<1x8x256xf32> to vector<8x256xf32>
        %mul3A_178 = arith.constant 8 : i32
        %mul3A_179 = arith.muli %add3A_29, %mul3A_178 : i32
        %get3A_180 = arith.constant 6 : index
        %get3A_181 = arith.index_cast %mul3A_179 : i32 to index
        %get3A_182 = arith.constant 0 : index
        %get3A_183 = vector.load %arg6[%get3A_180, %get3A_181, %get3A_182] : memref<8x2048x256xf32, #tpu.memory_space<vmem>>, vector<1x8x256xf32>
        %get3A_184 = vector.shape_cast %get3A_183 : vector<1x8x256xf32> to vector<8x256xf32>
        %mul3A_185 = arith.constant 8 : i32
        %mul3A_186 = arith.muli %add3A_29, %mul3A_185 : i32
        %get3A_187 = arith.constant 7 : index
        %get3A_188 = arith.index_cast %mul3A_186 : i32 to index
        %get3A_189 = arith.constant 0 : index
        %get3A_190 = vector.load %arg6[%get3A_187, %get3A_188, %get3A_189] : memref<8x2048x256xf32, #tpu.memory_space<vmem>>, vector<1x8x256xf32>
        %get3A_191 = vector.shape_cast %get3A_190 : vector<1x8x256xf32> to vector<8x256xf32>
        %concatenate3A_192 = tpu.concatenate %get3A_142, %get3A_149, %get3A_156, %get3A_163, %get3A_170, %get3A_177, %get3A_184, %get3A_191 in 0 : vector<8x256xf32>, vector<8x256xf32>, vector<8x256xf32>, vector<8x256xf32>, vector<8x256xf32>, vector<8x256xf32>, vector<8x256xf32>, vector<8x256xf32> -> vector<64x256xf32>
        %eq3A_193 = arith.constant 0 : i32
        %eq3A_194 = arith.cmpi eq, %add3A_29, %eq3A_193 : i32
        %jit3A_195 = arith.constant 0.000000e+00 : f32
        %select_n3A_196 = arith.select %eq3A_194, %jit3A_195, %cond3A_4 : f32
        %broadcast_in_dim3A_197 = vector.broadcast %select_n3A_196 : f32 to vector<64x1xf32>
        %slice3A_198 = vector.extract_strided_slice %add3A_130 {offsets = [0, 0], sizes = [64, 255], strides = [1, 1]} : vector<64x256xf32> to vector<64x255xf32>
        %concatenate3A_199 = tpu.concatenate %broadcast_in_dim3A_197, %slice3A_198 in 1 : vector<64x1xf32>, vector<64x255xf32> -> vector<64x256xf32>
        %min3A_200 = arith.minimumf %add3A_130, %concatenate3A_199 : vector<64x256xf32>
        %broadcast_in_dim3A_201 = arith.constant 0.000000e+00 : f32
        %broadcast_in_dim3A_202 = vector.broadcast %broadcast_in_dim3A_201 : f32 to vector<64x1xf32>
        %slice3A_203 = vector.extract_strided_slice %concatenate3A_192 {offsets = [0, 0], sizes = [64, 255], strides = [1, 1]} : vector<64x256xf32> to vector<64x255xf32>
        %concatenate3A_204 = tpu.concatenate %broadcast_in_dim3A_202, %slice3A_203 in 1 : vector<64x1xf32>, vector<64x255xf32> -> vector<64x256xf32>
        %sub3A_205 = arith.subf %min3A_200, %concatenate3A_204 : vector<64x256xf32>
        %broadcast_in_dim3A_206 = vector.broadcast %cond3A_4 : f32 to vector<64x1xf32>
        %slice3A_207 = vector.extract_strided_slice %sub3A_205 {offsets = [0, 0], sizes = [64, 255], strides = [1, 1]} : vector<64x256xf32> to vector<64x255xf32>
        %concatenate3A_208 = tpu.concatenate %broadcast_in_dim3A_206, %slice3A_207 in 1 : vector<64x1xf32>, vector<64x255xf32> -> vector<64x256xf32>
        %min3A_209 = arith.minimumf %sub3A_205, %concatenate3A_208 : vector<64x256xf32>
        %broadcast_in_dim3A_210 = vector.broadcast %cond3A_4 : f32 to vector<64x2xf32>
        %slice3A_211 = vector.extract_strided_slice %min3A_209 {offsets = [0, 0], sizes = [64, 254], strides = [1, 1]} : vector<64x256xf32> to vector<64x254xf32>
        %concatenate3A_212 = tpu.concatenate %broadcast_in_dim3A_210, %slice3A_211 in 1 : vector<64x2xf32>, vector<64x254xf32> -> vector<64x256xf32>
        %min3A_213 = arith.minimumf %min3A_209, %concatenate3A_212 : vector<64x256xf32>
        %broadcast_in_dim3A_214 = vector.broadcast %cond3A_4 : f32 to vector<64x4xf32>
        %slice3A_215 = vector.extract_strided_slice %min3A_213 {offsets = [0, 0], sizes = [64, 252], strides = [1, 1]} : vector<64x256xf32> to vector<64x252xf32>
        %concatenate3A_216 = tpu.concatenate %broadcast_in_dim3A_214, %slice3A_215 in 1 : vector<64x4xf32>, vector<64x252xf32> -> vector<64x256xf32>
        %min3A_217 = arith.minimumf %min3A_213, %concatenate3A_216 : vector<64x256xf32>
        %broadcast_in_dim3A_218 = vector.broadcast %cond3A_4 : f32 to vector<64x8xf32>
        %slice3A_219 = vector.extract_strided_slice %min3A_217 {offsets = [0, 0], sizes = [64, 248], strides = [1, 1]} : vector<64x256xf32> to vector<64x248xf32>
        %concatenate3A_220 = tpu.concatenate %broadcast_in_dim3A_218, %slice3A_219 in 1 : vector<64x8xf32>, vector<64x248xf32> -> vector<64x256xf32>
        %min3A_221 = arith.minimumf %min3A_217, %concatenate3A_220 : vector<64x256xf32>
        %broadcast_in_dim3A_222 = vector.broadcast %cond3A_4 : f32 to vector<64x16xf32>
        %slice3A_223 = vector.extract_strided_slice %min3A_221 {offsets = [0, 0], sizes = [64, 240], strides = [1, 1]} : vector<64x256xf32> to vector<64x240xf32>
        %concatenate3A_224 = tpu.concatenate %broadcast_in_dim3A_222, %slice3A_223 in 1 : vector<64x16xf32>, vector<64x240xf32> -> vector<64x256xf32>
        %min3A_225 = arith.minimumf %min3A_221, %concatenate3A_224 : vector<64x256xf32>
        %broadcast_in_dim3A_226 = vector.broadcast %cond3A_4 : f32 to vector<64x32xf32>
        %slice3A_227 = vector.extract_strided_slice %min3A_225 {offsets = [0, 0], sizes = [64, 224], strides = [1, 1]} : vector<64x256xf32> to vector<64x224xf32>
        %concatenate3A_228 = tpu.concatenate %broadcast_in_dim3A_226, %slice3A_227 in 1 : vector<64x32xf32>, vector<64x224xf32> -> vector<64x256xf32>
        %min3A_229 = arith.minimumf %min3A_225, %concatenate3A_228 : vector<64x256xf32>
        %broadcast_in_dim3A_230 = vector.broadcast %cond3A_4 : f32 to vector<64x64xf32>
        %slice3A_231 = vector.extract_strided_slice %min3A_229 {offsets = [0, 0], sizes = [64, 192], strides = [1, 1]} : vector<64x256xf32> to vector<64x192xf32>
        %concatenate3A_232 = tpu.concatenate %broadcast_in_dim3A_230, %slice3A_231 in 1 : vector<64x64xf32>, vector<64x192xf32> -> vector<64x256xf32>
        %min3A_233 = arith.minimumf %min3A_229, %concatenate3A_232 : vector<64x256xf32>
        %broadcast_in_dim3A_234 = vector.broadcast %cond3A_4 : f32 to vector<64x128xf32>
        %slice3A_235 = vector.extract_strided_slice %min3A_233 {offsets = [0, 0], sizes = [64, 128], strides = [1, 1]} : vector<64x256xf32> to vector<64x128xf32>
        %concatenate3A_236 = tpu.concatenate %broadcast_in_dim3A_234, %slice3A_235 in 1 : vector<64x128xf32>, vector<64x128xf32> -> vector<64x256xf32>
        %min3A_237 = arith.minimumf %min3A_233, %concatenate3A_236 : vector<64x256xf32>
        %add3A_238 = arith.addf %concatenate3A_192, %min3A_237 : vector<64x256xf32>
        %mul3A_239 = arith.constant 64 : i32
        %mul3A_240 = arith.muli %add3A_29, %mul3A_239 : i32
        %swap3A_241 = arith.index_cast %mul3A_240 : i32 to index
        %swap3A_242 = arith.constant 0 : index
        %swap3A_243 = vector.load %arg4[%swap3A_241, %swap3A_242] : memref<16384x256xf32, #tpu.memory_space<vmem>>, vector<64x256xf32>
        tpu.vector_store %arg4[%swap3A_241, %swap3A_242], %add3A_238 {strides = array<i32>} : memref<16384x256xf32, #tpu.memory_space<vmem>>, vector<64x256xf32>,
        scf.yield %add3A_238 : vector<64x256xf32>
      }
      %scan3A_11 = arith.constant 128 : i32
      %slice3A = vector.extract_strided_slice %scan3A_10 {offsets = [0, 255], sizes = [64, 1], strides = [1, 1]} : vector<64x256xf32> to vector<64x1xf32>
      %reshape3A = vector.shape_cast %slice3A : vector<64x1xf32> to vector<8x8xf32>
      %reduce_min3A = arith.constant dense<0x7F800000> : vector<8xf32>
      %reduce_min3A_12 = vector.multi_reduction <minimumf>, %reshape3A, %reduce_min3A [1] : vector<8x8xf32> to vector<8xf32>
      %broadcast_in_dim3A_13 = vector.shape_cast %reduce_min3A_12 : vector<8xf32> to vector<8x1xf32>
      %iota3A = tpu.iota {dimensions = array<i32: 1>} : vector<8x8xi32>
      %eq3A_14 = vector.broadcast %broadcast_in_dim3A_13 : vector<8x1xf32> to vector<8x8xf32>
      %eq3A_15 = arith.cmpf oeq, %reshape3A, %eq3A_14 : vector<8x8xf32>
      %jit3A = arith.constant 1073741824 : i32
      %broadcast_in_dim3A_16 = vector.broadcast %jit3A : i32 to vector<8x8xi32>
      %select_n3A = arith.select %eq3A_15, %iota3A, %broadcast_in_dim3A_16 : vector<8x8xi1>, vector<8x8xi32>
      %reduce_min3A_17 = arith.constant dense<2147483647> : vector<8xi32>
      %reduce_min3A_18 = vector.multi_reduction <minsi>, %select_n3A, %reduce_min3A_17 [1] : vector<8x8xi32> to vector<8xi32>
      %broadcast_in_dim3A_19 = vector.shape_cast %reduce_min3A_18 : vector<8xi32> to vector<8x1xi32>
      %broadcast_in_dim3A_20 = vector.shape_cast %broadcast_in_dim3A_19 : vector<8x1xi32> to vector<8x1x1xi32>
      %broadcast_in_dim3A_21 = vector.shape_cast %broadcast_in_dim3A_20 : vector<8x1x1xi32> to vector<8x1x1xi32>
      %broadcast_in_dim3A_22 = vector.broadcast %broadcast_in_dim3A_21 : vector<8x1x1xi32> to vector<8x1x16xi32>
      %swap3A = arith.constant 0 : index
      %swap3A_23 = arith.constant 0 : index
      %swap3A_24 = arith.constant 0 : index
      %swap3A_25 = vector.load %arg5[%swap3A, %swap3A_23, %swap3A_24] : memref<8x1x16xi32, #tpu.memory_space<vmem>>, vector<8x1x16xi32>
      tpu.vector_store %arg5[%swap3A, %swap3A_23, %swap3A_24], %broadcast_in_dim3A_22 {strides = array<i32>} : memref<8x1x16xi32, #tpu.memory_space<vmem>>, vector<8x1x16xi32>,
    } else {
    }
    return
  }
  func.func @transform_0(%arg0: i32) -> (i32, i32) {
    %c0_i32 = arith.constant 0 : i32
    %c0_i32_0 = arith.constant 0 : i32
    %c0_i32_1 = arith.constant 0 : i32
    return %c0_i32, %c0_i32_0 : i32, i32
  }
  func.func @transform_1(%arg0: i32) -> (i32, i32, i32) {
    %jit3A = arith.constant 8 : i32
    %eq3A = arith.constant 0 : i32
    %eq3A_0 = arith.cmpi eq, %jit3A, %eq3A : i32
    %jit3A_1 = arith.constant 1 : i32
    %select_n3A = arith.select %eq3A_0, %jit3A_1, %jit3A : i32
    %rem3A = arith.remsi %arg0, %select_n3A : i32
    %ne3A = arith.constant 0 : i32
    %ne3A_2 = arith.cmpi ne, %rem3A, %ne3A : i32
    %lt3A = arith.constant 0 : i32
    %lt3A_3 = arith.cmpi slt, %rem3A, %lt3A : i32
    %lt3A_4 = arith.constant 0 : i32
    %lt3A_5 = arith.cmpi slt, %select_n3A, %lt3A_4 : i32
    %ne3A_6 = arith.xori %lt3A_3, %lt3A_5 : i1
    %and3A = arith.andi %ne3A_6, %ne3A_2 : i1
    %add3A = arith.addi %rem3A, %select_n3A : i32
    %select_n3A_7 = arith.select %and3A, %add3A, %rem3A : i32
    %c0_i32 = arith.constant 0 : i32
    %c0_i32_8 = arith.constant 0 : i32
    %c0_i32_9 = arith.constant 0 : i32
    return %select_n3A_7, %c0_i32, %c0_i32_8 : i32, i32, i32
  }
  func.func @transform_2(%arg0: i32) -> (i32, i32) {
    %c0_i32 = arith.constant 0 : i32
    %c0_i32_0 = arith.constant 0 : i32
    %c0_i32_1 = arith.constant 0 : i32
    return %c0_i32, %c0_i32_0 : i32, i32
  }
  func.func @transform_3(%arg0: i32) -> (i32, i32) {
    %c0_i32 = arith.constant 0 : i32
    %c0_i32_0 = arith.constant 0 : i32
    %c0_i32_1 = arith.constant 0 : i32
    return %c0_i32, %c0_i32_0 : i32, i32
  }
  func.func @transform_4(%arg0: i32) -> (i32, i32, i32) {
    %c0_i32 = arith.constant 0 : i32
    %c0_i32_0 = arith.constant 0 : i32
    %c0_i32_1 = arith.constant 0 : i32
    %c0_i32_2 = arith.constant 0 : i32
    return %c0_i32, %c0_i32_0, %c0_i32_1 : i32, i32, i32
  }
}

</mosaic_0001>

<sc_bundles>
// kernel: kernel.4.cloned.1.call-start
scs
__scs_entry_jumppad:
0x0: {  	(pc) =	sbr.rel $0x88, $3  }
0x1: {  	(tag) =	ssettag $0x0;
	lr =	simm.s32 $0x1  }
0x2: {  	[smem:$0x3F9F] =	sst lr;
	_ =	strace $0xD0000000  }
0x3: {  	_ = 	snop  }
0x4: {  	_ = 	snop  }
0x5: {  	_ = 	snop  }
0x6: {  	_ = 	snop  }
0x7: {  	_ = 	snop  }
__scs_overlays_trampoline_lowered:
0x8: {  	[smem:$0x3FAE] =	sst s0  }
0x9: {  	[smem:$0x3FAF] =	sst s1  }
0xa: {  	[smem:$0x3FB0] =	sst s2  }
0xb: {  	[smem:$0x3FB1] =	sst s3  }
0xc: {  	[smem:$0x3FB2] =	sst s4  }
0xd: {  	[smem:$0x3FB3] =	sst s5  }
0xe: {  	[smem:$0x3FB4] =	sst s6  }
0xf: {  	[smem:$0x3FB5] =	sst s7  }
0x10: {  	[smem:$0x3FB6] =	sst s8  }
0x11: {  	[smem:$0x3FB7] =	sst s9;
	s0 =	simm.s32 @!p0 $0x0  }
0x12: {  	s1 =	sld [smem:$0x3F9D];
	s0 =	simm.s32 @p0 $0x1  }
0x13: {  	[smem:$0x3FB8] =	sst s0;
	s0 =	simm.s32 @!p1 $0x0  }
0x14: {  	s2 =	sld [smem:$0x3F9C];
	s0 =	simm.s32 @p1 $0x1  }
0x15: {  	[smem:$0x3FB9] =	sst s0;
	s0 =	simm.s32 @!p2 $0x0  }
0x16: {  	s3 =	sld [smem:$0x3FDB];
	s0 =	simm.s32 @p2 $0x1  }
0x17: {  	s4 =	simm.s32 $0x1BF5;
	[smem:$0x3FBB] =	sst s0  }
0x18: {  	s0 =	sld [smem:$0x3F9E];
	_ =	swait.ge [sflag:s4], $0x0  }
0x19: {  	s7 =	sld [smem:$0x3F9F]  }
0x1a: {  	s8 =	sadd.s32 $0xFFFFE003, lr  }
0x1b: {  	s9 =	sadd.s32 $0xFFFFFEF7, lr;
	s5 =	simm.s32 $0xFFFFFFFF;
	p2 =	slt.u32 s8, $0xFFFFF086  }
0x1c: {  	p1 =	slt.u32 s9, $0xF7A;
	s5 =	simm.s32 @!p2 $0x0  }
0x1d: {  	s5 =	simm.s32 @p1 $0x1;
	p0 =	seq.s32 s7, s2  }
0x1e: {  	s7 =	smul.u32 @!p0 $0xF7A, s2;
	p2 =	seq.s32 @!p0 s5, $0x0  }
0x1f: {  	s9 =	smul.u32 $0xF7A, s1;
	s8 =	simm.s32 @!p0 $0x1BF5;
	p2 =	por !p2, p0  }
0x20: {  	[sflag:s8] =	ssyncset.s32 @!p0 $0xFFFFF086;
	s6 =	sadd.s32 @!p0 s3, s7;
	s7 =	simm.s32 @!p0 $0x108  }
0x21: {  	s3 =	sadd.s32 s3, s9;
	s6 =	sadd.s32 @!p0 $0x88, s6;
	s7 =	simm.s32 @p2 $0x1082  }
0x22: {  	[simem:s7], [sflag:s8] =	dma.local @!p0 [hbm:s6], $0xF7A  }
0x23: {  	s9 =	sor.u32 $0xD0000000, s2;
	s6 =	simm.s32 $0x108;
	_ =	swait.ge @!p0 [sflag:s8], $0x0  }
0x24: {  	s3 =	sadd.s32 $0x88, s3;
	s6 =	simm.s32 @!p1 $0x1082;
	[sflag:s4] =	ssyncset.s32 $0xFFFFF086  }
0x25: {  	[simem:s6], [sflag:s4] =	dma.local [hbm:s3], $0xF7A  }
0x26: {  	[smem:$0x3F9F] =	sst s1;
	(tag) =	ssettag s2;
	_ =	strace s9  }
0x27: {  	s1 =	sld [smem:$0x3FAF]  }
0x28: {  	s2 =	sld [smem:$0x3FB0]  }
0x29: {  	s4 =	sld [smem:$0x3FB2]  }
0x2a: {  	p0 =	seq.s32 s5, $0x0;
	s5 =	sld [smem:$0x3FB3]  }
0x2b: {  	s6 =	sld [smem:$0x3FB4]  }
0x2c: {  	s7 =	sld [smem:$0x3FB5]  }
0x2d: {  	s3 =	simm.s32 $0x108;
	s8 =	sld [smem:$0x3FB6]  }
0x2e: {  	s3 =	simm.s32 @!p0 $0x1082;
	s9 =	sld [smem:$0x3FB7]  }
0x2f: {  	lr =	sadd.s32 s0, s3;
	s0 =	sld [smem:$0x3FAE]  }
0x30: {  	s3 =	sld [smem:$0x3FB1]  }
0x31: {  	[smem:$0x3FBA] =	sst s10  }
0x32: {  	s10 =	sld [smem:$0x3FB8];
	_ =	sdelay $0x3  }
0x33: {  	p0 =	seq.s32 s10, $0x1;
	s10 =	sld [smem:$0x3FBA];
	_ =	sdelay $0x3  }
0x34: {  	[smem:$0x3FBA] =	sst s10  }
0x35: {  	s10 =	sld [smem:$0x3FB9];
	_ =	sdelay $0x3  }
0x36: {  	p1 =	seq.s32 s10, $0x1;
	s10 =	sld [smem:$0x3FBA];
	_ =	sdelay $0x3  }
0x37: {  	[smem:$0x3FBA] =	sst s10  }
0x38: {  	s10 =	sld [smem:$0x3FBB]  }
0x39: {  	_ = 	snop;
	(pc) =	sbr.ind lr, $3  }
0x3a: {  	_ = 	snop  }
0x3b: {  	_ = 	snop  }
0x3c: {  	p2 =	seq.s32 s10, $0x1;
	s10 =	sld [smem:$0x3FBA]  }
0x3d: {  	_ =	shalt  }
0x3e: {  	_ =	shalt  }
0x3f: {  	_ =	shalt  }
0x40: {  	_ =	shalt  }
0x41: {  	_ =	shalt  }
0x42: {  	_ =	shalt  }
0x43: {  	_ =	shalt  }
0x44: {  	_ =	shalt  }
0x45: {  	_ =	shalt  }
0x46: {  	_ =	shalt  }
0x47: {  	_ =	shalt  }
0x48: {  	_ =	shalt  }
0x49: {  	_ =	shalt  }
0x4a: {  	_ =	shalt  }
0x4b: {  	_ =	shalt  }
0x4c: {  	_ =	shalt  }
0x4d: {  	_ =	shalt  }
0x4e: {  	_ =	shalt  }
0x4f: {  	_ =	shalt  }
0x50: {  	_ =	shalt  }
0x51: {  	_ =	shalt  }
0x52: {  	_ =	shalt  }
0x53: {  	_ =	shalt  }
0x54: {  	_ =	shalt  }
0x55: {  	_ =	shalt  }
0x56: {  	_ =	shalt  }
0x57: {  	_ =	shalt  }
0x58: {  	_ =	shalt  }
0x59: {  	_ =	shalt  }
0x5a: {  	_ =	shalt  }
0x5b: {  	_ =	shalt  }
0x5c: {  	_ =	shalt  }
0x5d: {  	_ =	shalt  }
0x5e: {  	_ =	shalt  }
0x5f: {  	_ =	shalt  }
0x60: {  	_ =	shalt  }
0x61: {  	_ =	shalt  }
0x62: {  	_ =	shalt  }
0x63: {  	_ =	shalt  }
0x64: {  	_ =	shalt  }
0x65: {  	_ =	shalt  }
0x66: {  	_ =	shalt  }
0x67: {  	_ =	shalt  }
0x68: {  	_ =	shalt  }
0x69: {  	_ =	shalt  }
0x6a: {  	_ =	shalt  }
0x6b: {  	_ =	shalt  }
0x6c: {  	_ =	shalt  }
0x6d: {  	_ =	shalt  }
0x6e: {  	_ =	shalt  }
0x6f: {  	_ =	shalt  }
0x70: {  	_ =	shalt  }
0x71: {  	_ =	shalt  }
0x72: {  	_ =	shalt  }
0x73: {  	_ =	shalt  }
0x74: {  	_ =	shalt  }
0x75: {  	_ =	shalt  }
0x76: {  	_ =	shalt  }
0x77: {  	_ =	shalt  }
0x78: {  	_ =	shalt  }
0x79: {  	_ =	shalt  }
0x7a: {  	_ =	shalt  }
0x7b: {  	_ =	shalt  }
0x7c: {  	_ =	shalt  }
0x7d: {  	_ =	shalt  }
0x7e: {  	_ =	shalt  }
0x7f: {  	_ =	shalt  }
0x80: {  	_ =	shalt  }
0x81: {  	_ =	shalt  }
0x82: {  	_ =	shalt  }
0x83: {  	_ =	shalt  }
0x84: {  	_ =	shalt  }
0x85: {  	_ =	shalt  }
0x86: {  	_ =	shalt  }
0x87: {  	_ =	shalt  }
.Lfunc_end0:
.L_simem_size_0:
called_computation_lowered:
.L_overlay_start_0:
0x88: {  	s2 =	sld [smem:$0x3FD9]  }
0x89: {  	s3 =	sld [smem:$0x3FFE];
	_ =	sdelay $0x1  }
0x8a: {  	s1 =	srdreg.scid  }
0x8b: {  	s0 =	sand.u32 $0x1, s1  }
0x8c: {  	s17 =	sshll.u32 s0, $0xA;
	s2 =	sadd.s32 s3, s2  }
0x8d: {  	s2 =	sadd.s32 s2, s17  }
0x8e: {  	[smem:$0x3FC6] =	sst s2  }
0x8f: {  	_ = 	snop  }
0x90: {  	s2 =	sld [smem:$0x3FC8]  }
0x91: {  	s18 =	sld [smem:$0x3FD0];
	(tm) =	ssettm $0x1  }
0x92: {  	s4 =	sld [smem:$0x3FFB];
	_ =	sdelay $0x3  }
0x93: {  	_ =	strace s4  }
0x94: {  	s4 =	sld [smem:$0x3FFC];
	_ =	sdelay $0x3  }
0x95: {  	_ =	strace s4  }
0x96: {  	s4 =	sld [smem:$0x3FFD];
	_ =	sdelay $0x3  }
0x97: {  	_ =	strace s4  }
0x98: {  	_ =	strace $0x8FFFFFFF  }
0x99: {  	s19 =	sld [smem:$0x3FDB];
	_ =	sdelay $0x1  }
0x9a: {  	s5 =	simm.s32 $_scs_section_size  }
0x9b: {  	s6 =	simm.s32 $_size__tile_overlayer_lowered;
	s7 =	simm.s32 $_tile_overlayer_lowered  }
0x9c: {  	s22 =	simm.s32 $0x1BFF;
	s21 =	sshll.u32 s7, $0x1;
	s4 =	sadd.s32 s5, s19  }
0x9d: {  	s8 =	simm.s32 $0x0;
	s20 =	sshll.u32 s6, $0x1;
	s6 =	sadd.s32 s21, s4  }
0x9e: {  	[timem:s8], [sflag:s22] =	dma.local [hbm:s6], s20  }
0x9f: {  	_ =	swait.ge [sflag:s22], s20  }
0xa0: {  	s5 =	ssub.s32 $0x0, s20;
	[sflag:s22] =	ssyncset.done $0x0  }
0xa1: {  	[sflag:s22] =	ssyncadd.s32 s5;
	_ =	sdelay $0x1  }
0xa2: {  	s23 =	simm.s32 $0x1B8B  }
0xa3: {  	_ =	swait.ge [sflag:s23], $0x1  }
0xa4: {  	[sflag:s23] =	ssyncset.done $0x0  }
0xa5: {  	s25 =	simm.s32 $0x1B8E;
	s24 =	sld [smem:$0x3FFE];
	[sflag:s23] =	ssyncadd.s32 $0xFFFFFFFF  }
0xa6: {  	s26 =	simm.s32 $execute0_lowered;
	[smem:$0x3FD2] =	sst s25  }
0xa7: {  	s6 =	sshll.u32 s26, $0x1;
	_ =	strace $0x80000046;
	[dreg:$0x1] =	wrdreg $0xFFFFFFFF  }
0xa8: {  	s28 =	simm.s32 $_size_execute0_lowered;
	s4 =	sadd.s32 s4, s6;
	[dreg:$0x0] =	wrdreg $0x0  }
0xa9: {  	s6 =	sshll.u32 s28, $0x1;
	[dreg:$0x2] =	wrdreg s4  }
0xaa: {  	[dreg:$0x3] =	wrdreg s6  }
0xab: {  	[dreg:$0x4] =	wrdreg $0xC0  }
0xac: {  	_ =	task [dreg:s8], $0x5FFFF  }
0xad: {  	[dreg:$0x1] =	wrdreg $0xFFFFFFFF  }
0xae: {  	[dreg:$0x0] =	wrdreg $0x60  }
0xaf: {  	[dreg:$0x2] =	wrdreg s24  }
0xb0: {  	[dreg:$0x3] =	wrdreg s2  }
0xb1: {  	[dreg:$0x4] =	wrdreg s18  }
0xb2: {  	[dreg:$0x5] =	wrdreg $0x9  }
0xb3: {  	_ =	task.clear_ibuf [dreg:s8], $0x6FFFF;
	_ =	strace $0x90000046  }
0xb4: {  	s29 =	simm.s32 $0x9;
	_ =	strace $0x80000048  }
0xb5: {  	_ =	swait.ge [sflag:s29], $0x1  }
0xb6: {  	[sflag:s29] =	ssyncadd.s32 $0xFFFFFFFF  }
0xb7: {  	_ =	strace $0x90000048  }
0xb8: {  	_ =	sfence  }
0xb9: {  	s30 =	sld [smem:$0x0];
	_ =	sdelay $0x2  }
0xba: {  	s31 =	sshll.u32 s1, $0xD;
	s1 =	sshrl.u32 s1, $0x2  }
0xbb: {  	s3 =	sand.u32 $0x4000, s31;
	s1 =	sadd.s32 s1, s30  }
0xbc: {  	s0 =	sor.u32 s3, s0;
	s1 =	sshll.u32 s1, $0x11  }
0xbd: {  	s0 =	sor.u32 s1, s0  }
0xbe: {  	s0 =	sadd.s32 $0x8F2B, s0  }
0xbf: {  	[sflag:s0] =	ssyncadd.remote.s32 $0x1  }
0xc0: {  	_ =	sfence.sel $0xFFFF  }
0xc1: {  	[dreg:$0x0] =	wrdreg $0xFFFFFFFF;
	(pc) =	sbr.abs _section_cstart, $3  }
0xc2: {  	[dreg:$0x1] =	wrdreg $0xFFFFFFFF  }
0xc3: {  	_ =	task.clear_ibuf [dreg:s8], $0x2FFFF;
	_ =	strace $0x9FFFFFFF  }
0xc4: {  	(tm) =	ssettm $0x7FFFFFFF  }
0xc5: {  	_ =	shalt  }
tec
execute0_lowered:
.L_overlay_start_1:
0x0: {  	(tag) =	ssettag $0x1  }
0x1: {  	s4 =	stileid.u32  }
0x2: {  	p0 =	sgt.u32 s4, $0x3  }
.Ltmp0:
0x3: {  	_ = 	snop;
	(pc) =	sbr.rel @p0 .LBB2_5-.Ltmp0, $4  }
0x4: {  	s1 =	rddreg [dreg:$0x0]  }
0x5: {  	s2 =	rddreg [dreg:$0x1];
	s3 =	simm.s32 $0x0  }
0x6: {  	[smem:$0x7FF] =	sst s3  }
0x7: {  	s0 =	rddreg [dreg:$0x2];
	_ =	strace $0x80000047  }
0x8: {  	s5 =	srdreg.scid;
	s4 =	sadd.s32 $0xE00, s1;
	s23 =	stileid.u32  }
0x9: {  	s29 =	simm.s32 $0x8800;
	s30 =	simm.s32 $0x9000;
	s31 =	simm.s32 $0x9800  }
0xa: {  	s11 =	simm.s32 $0xB800;
	s12 =	simm.s32 $0xC000;
	s13 =	simm.s32 $0xC800  }
0xb: {  	s14 =	simm.s32 $0xD000;
	s15 =	simm.s32 $0xD800;
	s16 =	simm.s32 $0xE000  }
0xc: {  	v19 =	vlaneseq.u32;
	s17 =	simm.s32 $0xE800;
	s18 =	simm.s32 $0xF000;
	s19 =	simm.s32 $0xF800  }
0xd: {  	vm0 =	vmmov $0xffff;
	s20 =	simm.s32 $0x10500;
	s21 =	simm.s32 $0x80;
	s22 =	simm.s32 $0x10600;
	v20 =	vimm.f32 $+Inf;
	v0 =	vmul.u32 $0x40, v19  }
0xe: {  	vm1 =	vmmov $0x1;
	s6 =	sand.u32 $0x1, s5;
	s7 =	sshll.u32 s23, $0x1;
	s5 =	sadd.s32 $0x80E00, s1;
	v18 =	vshrl.u32 v19, $0x3;
	v17 =	vand.u32 $0x7, v19  }
0xf: {  	v19 =	vor.u32 $0x8, v19;
	s23 =	simm.s32 $0x10580;
	s24 =	sor.u32 s6, s7;
	s25 =	ssub.s32 $0x2, s6;
	v18 =	vmul.u32 $0x8, v18;
	v2 =	vor.u32 $0x400, v0  }
0x10: {  	s8 =	sshll.u32 s24, $0x9;
	s26 =	sshll.u32 s24, $0xC;
	s9 =	sshrl.u32 s25, $0x1;
	v3 =	vor.u32 $0x800, v0;
	v4 =	vor.u32 $0xC00, v0;
	v5 =	vor.u32 $0x1000, v0  }
0x11: {  	s1 =	sshll.u32 s24, $0x3;
	v6 =	vor.u32 $0x1400, v0;
	v7 =	vor.u32 $0x1800, v0;
	v8 =	vor.u32 $0x1C00, v0;
	s24 =	simm.s32 $0x14600;
	s6 =	sadd.s32 s0, s26  }
0x12: {  	v9 =	vor.u32 $0x2000, v0;
	v10 =	vor.u32 $0x2400, v0;
	v11 =	vor.u32 $0x2800, v0;
	s28 =	ssub.s32 s25, s9;
	s9 =	simm.s32 $0x2;
	s10 =	sshrl.u32 s8, $0x2  }
0x13: {  	v12 =	vor.u32 $0x2C00, v0;
	v13 =	vor.u32 $0x3000, v0;
	v1 =	vmov s1;
	s26 =	simm.s32 $0x1;
	s0 =	simm.s32 $0xA000;
	s1 =	simm.s32 $0xA800  }
0x14: {  	v14 =	vor.u32 $0x3400, v0;
	v15 =	vor.u32 $0x3800, v0;
	v16 =	vor.u32 $0x3C00, v0;
	s8 =	simm.s32 $0xB000;
	s25 =	simm.s32 $0x0;
	s7 =	smax.u32 s28, $0x1  }
.LBB2_2:
0x15: {  	s28 =	simm.s32 $0x10000  }
0x16: {  	[tilespmem:s28], [sflag:$0x2] =	stream.linear.gather [hbm4b:s5+s3], $0x400, $0x38;
	[tilespmem:$0x18600] =	vst v63  }
0x17: {  	_ =	swait.ge [sflag:s9], $0x400  }
0x18: {  	[sflag:s9] =	ssyncset.done $0x0  }
0x19: {  	[sflag:s9] =	ssyncadd.s32 $0xFFFFFC00  }
0x1a: {  	v21 =	vld [tilespmem:s10+$0x10000];
	_ =	sdelay $0x4  }
0x1b: {  	v22 =	vadd.s32 v1, v21  }
0x1c: {  	v23 =	vadd.s32 v0, v22  }
0x1d: {  	v24 =	vadd.s32 v2, v22;
	[tilespmem:$0x10400] =	vst v23  }
0x1e: {  	[tilespmem:$0x10410] =	vst v24;
	v24 =	vadd.s32 v3, v22  }
0x1f: {  	[tilespmem:$0x10420] =	vst v24;
	v24 =	vadd.s32 v4, v22  }
0x20: {  	[tilespmem:$0x10430] =	vst v24;
	v24 =	vadd.s32 v5, v22  }
0x21: {  	[tilespmem:$0x10440] =	vst v24;
	v24 =	vadd.s32 v6, v22  }
0x22: {  	[tilespmem:$0x10450] =	vst v24;
	v24 =	vadd.s32 v7, v22  }
0x23: {  	v23 =	vshll.u32 v23, $0x1;
	[tilespmem:$0x10460] =	vst v24;
	v24 =	vadd.s32 v8, v22  }
0x24: {  	v25 =	vand.u32 $0x7, v21;
	v23 =	vand.u32 $0xFFFFFFF0, v23;
	[tilespmem:$0x10470] =	vst v24;
	v24 =	vadd.s32 v9, v22  }
0x25: {  	v23 =	vor.u32 v25, v23;
	[tilespmem:$0x10480] =	vst v24;
	v24 =	vadd.s32 v10, v22  }
0x26: {  	v25 =	vperm.xlane v23, v17;
	[tilespmem:$0x10490] =	vst v24;
	v24 =	vadd.s32 v11, v22  }
0x27: {  	[tilespmem:$0x104A0] =	vst v24;
	v24 =	vadd.s32 v12, v22  }
0x28: {  	v23 =	vperm.xlane v23, v19;
	v25 =	vadd.s32 v18, v25;
	[tilespmem:$0x104B0] =	vst v24;
	v24 =	vadd.s32 v13, v22  }
0x29: {  	[tilespmem:$0x104C0] =	vst v24;
	v24 =	vadd.s32 v14, v22  }
0x2a: {  	v23 =	vadd.s32 v18, v23;
	[tilespmem:$0x104D0] =	vst v24;
	v24 =	vadd.s32 v15, v22  }
0x2b: {  	v22 =	vadd.s32 v16, v22;
	[tilespmem:$0x104E0] =	vst v24  }
0x2c: {  	[tilespmem:$0x104F0] =	vst v22  }
0x2d: {  	[tilespmem:s3], [sflag:$0x1] =	stream.indirect_vreg.gather [hbm4b:s4+s3], $0x80, v25, vm0, $0xb8;
	[tilespmem:$0x18600] =	vst v63  }
0x2e: {  	s28 =	simm.s32 $0x800  }
0x2f: {  	[tilespmem:s28], [sflag:$0x1] =	stream.indirect_vreg.gather [hbm4b:s4+s3], $0x80, v23, vm0, $0xb8;
	[tilespmem:$0x18600] =	vst v63  }
0x30: {  	v22 =	vld [tilespmem:$0x10410];
	_ =	sdelay $0x4  }
0x31: {  	v23 =	vshll.u32 v22, $0x1  }
0x32: {  	v22 =	vand.u32 $0x7, v22;
	v23 =	vand.u32 $0xFFFFFFF0, v23  }
0x33: {  	v22 =	vor.u32 v22, v23  }
0x34: {  	v23 =	vperm.xlane v22, v17;
	_ =	sdelay $0x1  }
0x35: {  	v22 =	vperm.xlane v22, v19;
	v23 =	vadd.s32 v18, v23;
	_ =	sdelay $0x1  }
0x36: {  	v22 =	vadd.s32 v18, v22;
	_ =	sdelay $0x1  }
0x37: {  	s28 =	simm.s32 $0x1000  }
0x38: {  	[tilespmem:s28], [sflag:$0x1] =	stream.indirect_vreg.gather [hbm4b:s4+s3], $0x80, v23, vm0, $0xb8;
	[tilespmem:$0x18600] =	vst v63  }
0x39: {  	s28 =	simm.s32 $0x1800  }
0x3a: {  	[tilespmem:s28], [sflag:$0x1] =	stream.indirect_vreg.gather [hbm4b:s4+s3], $0x80, v22, vm0, $0xb8;
	[tilespmem:$0x18600] =	vst v63  }
0x3b: {  	v22 =	vld [tilespmem:$0x10420];
	_ =	sdelay $0x4  }
0x3c: {  	v23 =	vshll.u32 v22, $0x1  }
0x3d: {  	v22 =	vand.u32 $0x7, v22;
	v23 =	vand.u32 $0xFFFFFFF0, v23  }
0x3e: {  	v22 =	vor.u32 v22, v23  }
0x3f: {  	v23 =	vperm.xlane v22, v17;
	_ =	sdelay $0x1  }
0x40: {  	v22 =	vperm.xlane v22, v19;
	v23 =	vadd.s32 v18, v23;
	_ =	sdelay $0x1  }
0x41: {  	v22 =	vadd.s32 v18, v22;
	_ =	sdelay $0x1  }
0x42: {  	s28 =	simm.s32 $0x2000  }
0x43: {  	[tilespmem:s28], [sflag:$0x1] =	stream.indirect_vreg.gather [hbm4b:s4+s3], $0x80, v23, vm0, $0xb8;
	[tilespmem:$0x18600] =	vst v63  }
0x44: {  	s28 =	simm.s32 $0x2800  }
0x45: {  	[tilespmem:s28], [sflag:$0x1] =	stream.indirect_vreg.gather [hbm4b:s4+s3], $0x80, v22, vm0, $0xb8;
	[tilespmem:$0x18600] =	vst v63  }
0x46: {  	v22 =	vld [tilespmem:$0x10430];
	_ =	sdelay $0x4  }
0x47: {  	v23 =	vshll.u32 v22, $0x1  }
0x48: {  	v22 =	vand.u32 $0x7, v22;
	v23 =	vand.u32 $0xFFFFFFF0, v23  }
0x49: {  	v22 =	vor.u32 v22, v23  }
0x4a: {  	v23 =	vperm.xlane v22, v17;
	_ =	sdelay $0x1  }
0x4b: {  	v22 =	vperm.xlane v22, v19;
	v23 =	vadd.s32 v18, v23;
	_ =	sdelay $0x1  }
0x4c: {  	v22 =	vadd.s32 v18, v22;
	_ =	sdelay $0x1  }
0x4d: {  	s28 =	simm.s32 $0x3000  }
0x4e: {  	[tilespmem:s28], [sflag:$0x1] =	stream.indirect_vreg.gather [hbm4b:s4+s3], $0x80, v23, vm0, $0xb8;
	[tilespmem:$0x18600] =	vst v63  }
0x4f: {  	s28 =	simm.s32 $0x3800  }
0x50: {  	[tilespmem:s28], [sflag:$0x1] =	stream.indirect_vreg.gather [hbm4b:s4+s3], $0x80, v22, vm0, $0xb8;
	[tilespmem:$0x18600] =	vst v63  }
0x51: {  	v22 =	vld [tilespmem:$0x10440];
	_ =	sdelay $0x4  }
0x52: {  	v23 =	vshll.u32 v22, $0x1  }
0x53: {  	v22 =	vand.u32 $0x7, v22;
	v23 =	vand.u32 $0xFFFFFFF0, v23  }
0x54: {  	v22 =	vor.u32 v22, v23  }
0x55: {  	v23 =	vperm.xlane v22, v17;
	_ =	sdelay $0x1  }
0x56: {  	v22 =	vperm.xlane v22, v19;
	v23 =	vadd.s32 v18, v23;
	_ =	sdelay $0x1  }
0x57: {  	v22 =	vadd.s32 v18, v22;
	_ =	sdelay $0x1  }
0x58: {  	s28 =	simm.s32 $0x4000  }
0x59: {  	[tilespmem:s28], [sflag:$0x1] =	stream.indirect_vreg.gather [hbm4b:s4+s3], $0x80, v23, vm0, $0xb8;
	[tilespmem:$0x18600] =	vst v63  }
0x5a: {  	s28 =	simm.s32 $0x4800  }
0x5b: {  	[tilespmem:s28], [sflag:$0x1] =	stream.indirect_vreg.gather [hbm4b:s4+s3], $0x80, v22, vm0, $0xb8;
	[tilespmem:$0x18600] =	vst v63  }
0x5c: {  	v22 =	vld [tilespmem:$0x10450];
	_ =	sdelay $0x4  }
0x5d: {  	v23 =	vshll.u32 v22, $0x1  }
0x5e: {  	v22 =	vand.u32 $0x7, v22;
	v23 =	vand.u32 $0xFFFFFFF0, v23  }
0x5f: {  	v22 =	vor.u32 v22, v23  }
0x60: {  	v23 =	vperm.xlane v22, v17;
	_ =	sdelay $0x1  }
0x61: {  	v22 =	vperm.xlane v22, v19;
	v23 =	vadd.s32 v18, v23;
	_ =	sdelay $0x1  }
0x62: {  	v22 =	vadd.s32 v18, v22;
	_ =	sdelay $0x1  }
0x63: {  	s28 =	simm.s32 $0x5000  }
0x64: {  	[tilespmem:s28], [sflag:$0x1] =	stream.indirect_vreg.gather [hbm4b:s4+s3], $0x80, v23, vm0, $0xb8;
	[tilespmem:$0x18600] =	vst v63  }
0x65: {  	s28 =	simm.s32 $0x5800  }
0x66: {  	[tilespmem:s28], [sflag:$0x1] =	stream.indirect_vreg.gather [hbm4b:s4+s3], $0x80, v22, vm0, $0xb8;
	[tilespmem:$0x18600] =	vst v63  }
0x67: {  	v22 =	vld [tilespmem:$0x10460];
	_ =	sdelay $0x4  }
0x68: {  	v23 =	vshll.u32 v22, $0x1  }
0x69: {  	v22 =	vand.u32 $0x7, v22;
	v23 =	vand.u32 $0xFFFFFFF0, v23  }
0x6a: {  	v22 =	vor.u32 v22, v23  }
0x6b: {  	v23 =	vperm.xlane v22, v17;
	_ =	sdelay $0x1  }
0x6c: {  	v22 =	vperm.xlane v22, v19;
	v23 =	vadd.s32 v18, v23;
	_ =	sdelay $0x1  }
0x6d: {  	v22 =	vadd.s32 v18, v22;
	_ =	sdelay $0x1  }
0x6e: {  	s28 =	simm.s32 $0x6000  }
0x6f: {  	[tilespmem:s28], [sflag:$0x1] =	stream.indirect_vreg.gather [hbm4b:s4+s3], $0x80, v23, vm0, $0xb8;
	[tilespmem:$0x18600] =	vst v63  }
0x70: {  	s28 =	simm.s32 $0x6800  }
0x71: {  	[tilespmem:s28], [sflag:$0x1] =	stream.indirect_vreg.gather [hbm4b:s4+s3], $0x80, v22, vm0, $0xb8;
	[tilespmem:$0x18600] =	vst v63  }
0x72: {  	v22 =	vld [tilespmem:$0x10470];
	_ =	sdelay $0x4  }
0x73: {  	v23 =	vshll.u32 v22, $0x1  }
0x74: {  	v22 =	vand.u32 $0x7, v22;
	v23 =	vand.u32 $0xFFFFFFF0, v23  }
0x75: {  	v22 =	vor.u32 v22, v23  }
0x76: {  	v23 =	vperm.xlane v22, v17;
	_ =	sdelay $0x1  }
0x77: {  	v22 =	vperm.xlane v22, v19;
	v23 =	vadd.s32 v18, v23;
	_ =	sdelay $0x1  }
0x78: {  	v22 =	vadd.s32 v18, v22;
	_ =	sdelay $0x1  }
0x79: {  	s28 =	simm.s32 $0x7000  }
0x7a: {  	[tilespmem:s28], [sflag:$0x1] =	stream.indirect_vreg.gather [hbm4b:s4+s3], $0x80, v23, vm0, $0xb8;
	[tilespmem:$0x18600] =	vst v63  }
0x7b: {  	s28 =	simm.s32 $0x7800  }
0x7c: {  	[tilespmem:s28], [sflag:$0x1] =	stream.indirect_vreg.gather [hbm4b:s4+s3], $0x80, v22, vm0, $0xb8;
	[tilespmem:$0x18600] =	vst v63  }
0x7d: {  	_ =	swait.ge [sflag:s26], $0x8000  }
0x7e: {  	[sflag:s26] =	ssyncset.done $0x0  }
0x7f: {  	[sflag:s26] =	ssyncadd.s32 $0xFFFF8000  }
0x80: {  	v22 =	vld [tilespmem:$0x10480];
	_ =	sdelay $0x4  }
0x81: {  	v23 =	vshll.u32 v22, $0x1  }
0x82: {  	v22 =	vand.u32 $0x7, v22;
	v23 =	vand.u32 $0xFFFFFFF0, v23  }
0x83: {  	v22 =	vor.u32 v22, v23  }
0x84: {  	v23 =	vperm.xlane v22, v17;
	_ =	sdelay $0x1  }
0x85: {  	v22 =	vperm.xlane v22, v19;
	v23 =	vadd.s32 v18, v23;
	_ =	sdelay $0x1  }
0x86: {  	v22 =	vadd.s32 v18, v22;
	_ =	sdelay $0x1  }
0x87: {  	s28 =	simm.s32 $0x8000  }
0x88: {  	[tilespmem:s28], [sflag:$0x1] =	stream.indirect_vreg.gather [hbm4b:s4+s3], $0x80, v23, vm0, $0xb8;
	[tilespmem:$0x18600] =	vst v63  }
0x89: {  	_ = 	snop  }
0x8a: {  	[tilespmem:s29], [sflag:$0x1] =	stream.indirect_vreg.gather [hbm4b:s4+s3], $0x80, v22, vm0, $0xb8;
	[tilespmem:$0x18600] =	vst v63  }
0x8b: {  	v22 =	vld [tilespmem:$0x10490];
	_ =	sdelay $0x4  }
0x8c: {  	v23 =	vshll.u32 v22, $0x1  }
0x8d: {  	v22 =	vand.u32 $0x7, v22;
	v23 =	vand.u32 $0xFFFFFFF0, v23  }
0x8e: {  	v22 =	vor.u32 v22, v23  }
0x8f: {  	v23 =	vperm.xlane v22, v17;
	_ =	sdelay $0x1  }
0x90: {  	v22 =	vperm.xlane v22, v19;
	v23 =	vadd.s32 v18, v23;
	_ =	sdelay $0x1  }
0x91: {  	v22 =	vadd.s32 v18, v22;
	_ =	sdelay $0x2  }
0x92: {  	[tilespmem:s30], [sflag:$0x1] =	stream.indirect_vreg.gather [hbm4b:s4+s3], $0x80, v23, vm0, $0xb8;
	[tilespmem:$0x18600] =	vst v63  }
0x93: {  	_ = 	snop  }
0x94: {  	[tilespmem:s31], [sflag:$0x1] =	stream.indirect_vreg.gather [hbm4b:s4+s3], $0x80, v22, vm0, $0xb8;
	[tilespmem:$0x18600] =	vst v63  }
0x95: {  	v22 =	vld [tilespmem:$0x104A0];
	_ =	sdelay $0x4  }
0x96: {  	v23 =	vshll.u32 v22, $0x1  }
0x97: {  	v22 =	vand.u32 $0x7, v22;
	v23 =	vand.u32 $0xFFFFFFF0, v23  }
0x98: {  	v22 =	vor.u32 v22, v23  }
0x99: {  	v23 =	vperm.xlane v22, v17;
	_ =	sdelay $0x1  }
0x9a: {  	v22 =	vperm.xlane v22, v19;
	v23 =	vadd.s32 v18, v23;
	_ =	sdelay $0x1  }
0x9b: {  	v22 =	vadd.s32 v18, v22;
	_ =	sdelay $0x2  }
0x9c: {  	[tilespmem:s0], [sflag:$0x1] =	stream.indirect_vreg.gather [hbm4b:s4+s3], $0x80, v23, vm0, $0xb8;
	[tilespmem:$0x18600] =	vst v63  }
0x9d: {  	_ = 	snop  }
0x9e: {  	[tilespmem:s1], [sflag:$0x1] =	stream.indirect_vreg.gather [hbm4b:s4+s3], $0x80, v22, vm0, $0xb8;
	[tilespmem:$0x18600] =	vst v63  }
0x9f: {  	v22 =	vld [tilespmem:$0x104B0];
	_ =	sdelay $0x4  }
0xa0: {  	v23 =	vshll.u32 v22, $0x1  }
0xa1: {  	v22 =	vand.u32 $0x7, v22;
	v23 =	vand.u32 $0xFFFFFFF0, v23  }
0xa2: {  	v22 =	vor.u32 v22, v23  }
0xa3: {  	v23 =	vperm.xlane v22, v17;
	_ =	sdelay $0x1  }
0xa4: {  	v22 =	vperm.xlane v22, v19;
	v23 =	vadd.s32 v18, v23;
	_ =	sdelay $0x1  }
0xa5: {  	v22 =	vadd.s32 v18, v22;
	_ =	sdelay $0x2  }
0xa6: {  	[tilespmem:s8], [sflag:$0x1] =	stream.indirect_vreg.gather [hbm4b:s4+s3], $0x80, v23, vm0, $0xb8;
	[tilespmem:$0x18600] =	vst v63  }
0xa7: {  	_ = 	snop  }
0xa8: {  	[tilespmem:s11], [sflag:$0x1] =	stream.indirect_vreg.gather [hbm4b:s4+s3], $0x80, v22, vm0, $0xb8;
	[tilespmem:$0x18600] =	vst v63  }
0xa9: {  	v22 =	vld [tilespmem:$0x104C0];
	_ =	sdelay $0x4  }
0xaa: {  	v23 =	vshll.u32 v22, $0x1  }
0xab: {  	v22 =	vand.u32 $0x7, v22;
	v23 =	vand.u32 $0xFFFFFFF0, v23  }
0xac: {  	v22 =	vor.u32 v22, v23  }
0xad: {  	v23 =	vperm.xlane v22, v17;
	_ =	sdelay $0x1  }
0xae: {  	v22 =	vperm.xlane v22, v19;
	v23 =	vadd.s32 v18, v23;
	_ =	sdelay $0x1  }
0xaf: {  	v22 =	vadd.s32 v18, v22;
	_ =	sdelay $0x2  }
0xb0: {  	[tilespmem:s12], [sflag:$0x1] =	stream.indirect_vreg.gather [hbm4b:s4+s3], $0x80, v23, vm0, $0xb8;
	[tilespmem:$0x18600] =	vst v63  }
0xb1: {  	_ = 	snop  }
0xb2: {  	[tilespmem:s13], [sflag:$0x1] =	stream.indirect_vreg.gather [hbm4b:s4+s3], $0x80, v22, vm0, $0xb8;
	[tilespmem:$0x18600] =	vst v63  }
0xb3: {  	v22 =	vld [tilespmem:$0x104D0];
	_ =	sdelay $0x4  }
0xb4: {  	v23 =	vshll.u32 v22, $0x1  }
0xb5: {  	v22 =	vand.u32 $0x7, v22;
	v23 =	vand.u32 $0xFFFFFFF0, v23  }
0xb6: {  	v22 =	vor.u32 v22, v23  }
0xb7: {  	v23 =	vperm.xlane v22, v17;
	_ =	sdelay $0x1  }
0xb8: {  	v22 =	vperm.xlane v22, v19;
	v23 =	vadd.s32 v18, v23;
	_ =	sdelay $0x1  }
0xb9: {  	v22 =	vadd.s32 v18, v22;
	_ =	sdelay $0x2  }
0xba: {  	[tilespmem:s14], [sflag:$0x1] =	stream.indirect_vreg.gather [hbm4b:s4+s3], $0x80, v23, vm0, $0xb8;
	[tilespmem:$0x18600] =	vst v63  }
0xbb: {  	_ = 	snop  }
0xbc: {  	[tilespmem:s15], [sflag:$0x1] =	stream.indirect_vreg.gather [hbm4b:s4+s3], $0x80, v22, vm0, $0xb8;
	[tilespmem:$0x18600] =	vst v63  }
0xbd: {  	v22 =	vld [tilespmem:$0x104E0];
	_ =	sdelay $0x4  }
0xbe: {  	v23 =	vshll.u32 v22, $0x1  }
0xbf: {  	v22 =	vand.u32 $0x7, v22;
	v23 =	vand.u32 $0xFFFFFFF0, v23  }
0xc0: {  	v22 =	vor.u32 v22, v23  }
0xc1: {  	v23 =	vperm.xlane v22, v17;
	_ =	sdelay $0x1  }
0xc2: {  	v22 =	vperm.xlane v22, v19;
	v23 =	vadd.s32 v18, v23;
	_ =	sdelay $0x1  }
0xc3: {  	v22 =	vadd.s32 v18, v22;
	_ =	sdelay $0x2  }
0xc4: {  	[tilespmem:s16], [sflag:$0x1] =	stream.indirect_vreg.gather [hbm4b:s4+s3], $0x80, v23, vm0, $0xb8;
	[tilespmem:$0x18600] =	vst v63  }
0xc5: {  	_ = 	snop  }
0xc6: {  	[tilespmem:s17], [sflag:$0x1] =	stream.indirect_vreg.gather [hbm4b:s4+s3], $0x80, v22, vm0, $0xb8;
	[tilespmem:$0x18600] =	vst v63  }
0xc7: {  	v22 =	vld [tilespmem:$0x104F0];
	_ =	sdelay $0x4  }
0xc8: {  	v23 =	vshll.u32 v22, $0x1  }
0xc9: {  	v22 =	vand.u32 $0x7, v22;
	v23 =	vand.u32 $0xFFFFFFF0, v23  }
0xca: {  	v22 =	vor.u32 v22, v23  }
0xcb: {  	v23 =	vperm.xlane v22, v17;
	_ =	sdelay $0x1  }
0xcc: {  	v22 =	vperm.xlane v22, v19;
	v23 =	vadd.s32 v18, v23;
	_ =	sdelay $0x1  }
0xcd: {  	v22 =	vadd.s32 v18, v22;
	_ =	sdelay $0x2  }
0xce: {  	[tilespmem:s18], [sflag:$0x1] =	stream.indirect_vreg.gather [hbm4b:s4+s3], $0x80, v23, vm0, $0xb8;
	[tilespmem:$0x18600] =	vst v63  }
0xcf: {  	_ = 	snop  }
0xd0: {  	[tilespmem:s19], [sflag:$0x1] =	stream.indirect_vreg.gather [hbm4b:s4+s3], $0x80, v22, vm0, $0xb8;
	[tilespmem:$0x18600] =	vst v63  }
0xd1: {  	_ =	swait.ge [sflag:s26], $0x8000  }
0xd2: {  	[sflag:s26] =	ssyncset.done $0x0  }
0xd3: {  	v21 =	vshll.u32 v21, $0x8;
	[sflag:s26] =	ssyncadd.s32 $0xFFFF8000  }
0xd4: {  	[tilespmem:$0x10500] =	vst v21  }
0xd5: {  	v22 =	vimm.s32 $0x100;
	[tilespmem:$0x10510] =	vst v21  }
0xd6: {  	v24 =	vadd.s32 $0xFFFFFFFE, v22;
	v23 =	vadd.s32 $0xFFFFFFFF, v22;
	[tilespmem:$0x10520] =	vst v21  }
0xd7: {  	vm2 =	vgt.s32 v24, $0x0;
	vm3 =	vgt.s32 v23, $0x0;
	[tilespmem:$0x10530] =	vst v21  }
0xd8: {  	v24 =	vnsel vm2, $0x0, v24;
	v25 =	vnsel vm3, $0x0, v23;
	[tilespmem:$0x10540] =	vst v21  }
0xd9: {  	[tilespmem:$0x10550] =	vst v21;
	v26 =	vshll.u32 v24, $0x8;
	v27 =	vshll.u32 v25, $0x3  }
0xda: {  	[tilespmem:$0x10560] =	vst v21;
	v28 =	vshll.u32 v25, $0x8;
	v29 =	vshll.u32 v24, $0x3;
	v30 =	vand.u32 $0x7F, v25  }
0xdb: {  	[tilespmem:$0x10570] =	vst v21;
	v31 =	vshll.u32 v25, $0x7;
	v32 =	vshll.u32 v24, $0x7;
	v24 =	vand.u32 $0x7F, v24  }
0xdc: {  	[tilespmem:$0x10580] =	vst v21;
	v26 =	vand.u32 $0xFFFFF800, v26;
	v27 =	vand.u32 $0xFFFFFC00, v27;
	v28 =	vand.u32 $0xFFFFF800, v28  }
0xdd: {  	[tilespmem:$0x10590] =	vst v21;
	v29 =	vand.u32 $0xFFFFFC00, v29;
	v56 =	vand.u32 $0x380, v31;
	v27 =	vadd.s32 v26, v27  }
0xde: {  	[tilespmem:$0x105A0] =	vst v21;
	v57 =	vand.u32 $0x380, v32;
	v26 =	vadd.s32 v26, v29;
	v27 =	vor.u32 v30, v27  }
0xdf: {  	[tilespmem:$0x105B0] =	vst v21;
	v28 =	vadd.s32 v28, v29;
	v26 =	vor.u32 v57, v26;
	v27 =	vor.u32 v57, v27  }
0xe0: {  	[tilespmem:$0x105C0] =	vst v21;
	v28 =	vor.u32 v56, v28;
	v26 =	vor.u32 v24, v26  }
0xe1: {  	[tilespmem:$0x105D0] =	vst v21;
	v24 =	vor.u32 v24, v28  }
0xe2: {  	[tilespmem:$0x105E0] =	vst v21  }
0xe3: {  	[tilespmem:$0x105F0] =	vst v21  }
0xe4: {  	v27 =	vld.idx.msk [tilespmem:v27+s3+$0x0], $0xffff  }
0xe5: {  	v26 =	vld.idx.msk [tilespmem:v26+s3+$0x0], $0xffff  }
0xe6: {  	vm4 =	vgt.s32 v22, $0x0;
	v24 =	vld.idx.msk [tilespmem:v24+s3+$0x0], $0xffff  }
0xe7: {  	v59 =	vor.u32 v23, v23;
	v60 =	vor.u32 v22, v23;
	vm2 =	vmand vm4, vm4;
	v58 =	vld.idx.msk [tilespmem:v25+s20+$0x0], $0xffff  }
0xe8: {  	vm6 =	vmand vm3, vm3;
	vm7 =	veq.s32 v60, $0x0;
	vm5 =	vmand vm2, vm1  }
0xe9: {  	vm8 =	vmand vm3, vm4;
	vm3 =	vmand vm4, vm3;
	vm4 =	veq.s32 v59, $0x0  }
0xea: {  	v61 =	vadd.s32 v21, v23;
	v62 =	vsel vm4, $0x0, v20;
	v63 =	vsel vm7, $0x0, v20  }
0xeb: {  	v26 =	vsel vm6, v26, v62;
	v27 =	vsel vm8, v27, v63;
	v24 =	vsel vm3, v24, v63  }
0xec: {  	vm3 =	vgt.s32 v58, v61;
	vm4 =	vle.f32 v26, v27;
	vm6 =	vle.f32 v26, v24  }
0xed: {  	v26 =	vsel vm3, v58, v61;
	vm4 =	vmneg vm4;
	vm6 =	vmneg vm6  }
0xee: {  	s28 =	simm.s32 $0x1FE;
	vm3 =	vle.f32 v27, v24;
	v24 =	vimm.s32 $0x100;
	[tilespmem:v25+s20+$0x0] =	vst.idx.msk vm5, v26;
	v25 =	vmovc v23;
	vm4 =	vmor vm4, vm6  }
.LBB2_3:
0xef: {  	p0 =	sne.s32 s28, $0x1;
	s28 =	sadd.s32 $0xFFFFFFFF, s28;
	vm3 =	vmand vm3, vm4  }
0xf0: {  	vm3 =	vmneg vm3  }
0xf1: {  	vm4 =	vmxor vm3, vm4;
	vm3 =	vmand vm2, vm3  }
0xf2: {  	vm2 =	vmand vm2, vm4;
	v22 =	vsel vm3, v23, v22  }
0xf3: {  	vm3 =	vgt.s32 v22, $0x0;
	v26 =	vadd.s32 $0xFFFFFFFE, v22;
	v24 =	vsel vm2, v25, v24  }
0xf4: {  	vm4 =	vgt.s32 v24, $0x0;
	v27 =	vadd.s32 $0xFFFFFFFE, v24;
	vm2 =	vgt.s32 v26, $0x0  }
0xf5: {  	v23 =	vadd.s32 $0xFFFFFFFF, v22;
	v25 =	vadd.s32 $0xFFFFFFFF, v24;
	vm7 =	vgt.s32 v27, $0x0  }
0xf6: {  	vm6 =	vgt.s32 v23, $0x0;
	vm5 =	vgt.s32 v25, $0x0;
	v27 =	vnsel vm7, $0x0, v27  }
0xf7: {  	v26 =	vnsel vm2, $0x0, v26;
	v28 =	vnsel vm6, $0x0, v23;
	v29 =	vnsel vm5, $0x0, v25  }
0xf8: {  	v31 =	vshll.u32 v28, $0x3;
	v30 =	vshll.u32 v27, $0x8;
	v32 =	vshll.u32 v29, $0x8  }
0xf9: {  	v31 =	vand.u32 $0xFFFFFC00, v31;
	v30 =	vand.u32 $0xFFFFF800, v30;
	v32 =	vand.u32 $0xFFFFF800, v32  }
0xfa: {  	v33 =	vshll.u32 v26, $0x3;
	v34 =	vand.u32 $0x7F, v28;
	v29 =	vshll.u32 v29, $0x7  }
0xfb: {  	v33 =	vand.u32 $0xFFFFFC00, v33;
	v27 =	vshll.u32 v27, $0x7;
	v31 =	vadd.s32 v30, v31  }
0xfc: {  	v29 =	vand.u32 $0x380, v29;
	v30 =	vadd.s32 v30, v33;
	v31 =	vor.u32 v34, v31  }
0xfd: {  	v26 =	vand.u32 $0x7F, v26;
	v27 =	vand.u32 $0x380, v27;
	v32 =	vadd.s32 v32, v33  }
0xfe: {  	v30 =	vor.u32 v27, v30;
	v29 =	vor.u32 v29, v32;
	v27 =	vor.u32 v27, v31;
	v31 =	vld.idx.msk [tilespmem:v28+s20+$0x0], $0xffff  }
0xff: {  	vm2 =	vmand vm4, vm3;
	v30 =	vor.u32 v26, v30;
	v26 =	vor.u32 v26, v29  }
0x100: {  	vm7 =	vmand vm2, vm1;
	v32 =	vor.u32 v22, v25;
	v29 =	vor.u32 v25, v23  }
0x101: {  	vm8 =	vmand vm5, vm6;
	vm9 =	veq.s32 v32, $0x0;
	v32 =	vor.u32 v24, v23  }
0x102: {  	vm4 =	vmand vm4, vm6;
	vm3 =	vmand vm5, vm3;
	vm5 =	veq.s32 v32, $0x0  }
0x103: {  	v32 =	vadd.s32 v21, v25;
	v27 =	vld.idx.msk [tilespmem:v27+s3+$0x0], $0xffff  }
0x104: {  	vm6 =	vgt.s32 v31, v32;
	v30 =	vld.idx.msk [tilespmem:v30+s3+$0x0], $0xffff  }
0x105: {  	v31 =	vsel vm6, v31, v32;
	v26 =	vld.idx.msk [tilespmem:v26+s3+$0x0], $0xffff  }
0x106: {  	[tilespmem:v28+s20+$0x0] =	vst.idx.msk vm7, v31;
	_ =	sdelay $0x1  }
0x107: {  	vm6 =	veq.s32 v29, $0x0  }
0x108: {  	v29 =	vsel vm9, $0x0, v20;
	v28 =	vsel vm6, $0x0, v20  }
.Ltmp1:
0x109: {  	v27 =	vsel vm3, v27, v29;
	v29 =	vsel vm5, $0x0, v20;
	v28 =	vsel vm8, v30, v28;
	(pc) =	sbr.rel @p0 .LBB2_3-.Ltmp1, $4  }
0x10a: {  	v26 =	vsel vm4, v26, v29;
	vm4 =	vle.f32 v28, v27  }
0x10b: {  	vm5 =	vle.f32 v28, v26;
	vm3 =	vle.f32 v27, v26  }
0x10c: {  	vm4 =	vmneg vm4;
	vm5 =	vmneg vm5  }
0x10d: {  	vm4 =	vmor vm4, vm5  }
0x10e: {  	[tilespmem:s22], [sflag:$0x1] =	stream.indirect.gather [hbm4b:s2+s21], $0x80, s20, s21, $0xb8;
	[tilespmem:$0x18600] =	vst v63  }
0x10f: {  	_ =	swait.ge [sflag:s26], $0x4000  }
0x110: {  	[sflag:s26] =	ssyncset.done $0x0  }
0x111: {  	[sflag:s26] =	ssyncadd.s32 $0xFFFFC000  }
0x112: {  	[tilespmem:s24], [sflag:$0x1] =	stream.indirect.gather [hbm4b:s2+s21], $0x80, s23, s21, $0xb8;
	[tilespmem:$0x18600] =	vst v63  }
0x113: {  	s25 =	sadd.s32 $0x1, s25;
	_ =	swait.ge [sflag:s26], $0x4000  }
0x114: {  	p0 =	sne.s32 s25, s7;
	[sflag:s26] =	ssyncset.done $0x0  }
.Ltmp2:
0x115: {  	[sflag:s26] =	ssyncadd.s32 $0xFFFFC000;
	(pc) =	sbr.rel @p0 .LBB2_2-.Ltmp2, $4  }
0x116: {  	[hbm4b:s6+s3] =	stream.linear.scatter [tilespmem:s22], [sflag:$0x2], $0x8000, $0x38;
	[tilespmem:$0x18600] =	vst v63  }
0x117: {  	_ =	swait.ge [sflag:s9], $0x8000  }
0x118: {  	[sflag:s9] =	ssyncset.done $0x0  }
0x119: {  	[sflag:s9] =	ssyncadd.s32 $0xFFFF8000  }
.LBB2_5:
0x11a: {  	_ =	sfence.sel $0x180000  }
0x11b: {  	[bflag:$0x0] =	sbarrier.arrive $0xFFFF  }
0x11c: {  	_ =	strace $0x90000047  }
0x11d: {  	s0 =	stileid.u32;
	[bflag:$0x2] =	sbarrier.arrive $0xFFFF  }
0x11e: {  	p0 =	sne.s32 s0, $0x0;
	s0 =	rddreg [dreg:$0x3]  }
0x11f: {  	s0 =	sadd.s32 @!p0 $0x100000, s0  }
0x120: {  	[sflag:s0] =	ssyncadd.tile.s32 @!p0 $0x1;
	_ =	shalt  }
.Lfunc_end2:
_tile_overlayer_lowered:
.L_overlay_start_2:
0x121: {  	(tag) =	ssettag $0x2  }
0x122: {  	s0 =	rddreg [dreg:$0x0];
	s2 =	stileid.u32  }
0x123: {  	s1 =	rddreg [dreg:$0x1];
	p0 =	sne.s32 s2, $0x0  }
0x124: {  	s3 =	rddreg [dreg:$0x2];
	[bflag:$0x3] =	sbarrier.arrive $0xFFFF;
	s2 =	simm.s32 @!p0 $0x1C02  }
0x125: {  	[timem:s3], [sflag:s2] =	dma.local @!p0 [hbm:s0], s1  }
0x126: {  	s0 =	simm.s32 @!p0 $0x2  }
0x127: {  	_ =	swait.ge @!p0 [sflag:s0], s1  }
0x128: {  	s1 =	ssub.s32 @!p0 $0x0, s1;
	[sflag:s0] =	ssyncset.done @!p0 $0x0  }
0x129: {  	[sflag:s0] =	ssyncadd.s32 @!p0 s1  }
0x12a: {  	[bflag:$0x3] =	sbarrier.arrive $0xFFFF  }
0x12b: {  	_ =	shalt  }

</sc_bundles>
